<compile_context>
chip_gen: v7x
topology: tpu7x:2x2x1
jax: 0.10.2.dev20260603
libtpu: 0.0.44.dev20260713+nightly
codegen_flags: <defaults>
</compile_context>

<pallas_src>
import functools

import jax
import jax.numpy as jnp
from jax import lax
from jax.experimental import pallas as pl
from jax.experimental.pallas import tpu as pltpu
from jax.experimental.pallas import tpu_sc as plsc


def _log1pexp(t):
    c = 1.0 + jnp.exp(t)
    y = 0.42546 * c - 0.20717
    for _ in range(2):
        y = y + c * jnp.exp(-y) - 1.0
    return y


def kernel(x, embed_weight, W, b):
    del embed_weight
    L, B = x.shape
    OUT, V = W.shape

    info = plsc.get_sparse_core_info()
    NC = 1
    NW = NC * info.num_subcores
    bpw = B // NW
    ngrp = bpw // 16

    w_flat = W.astype(jnp.float32).reshape(OUT * V)
    blanes = jnp.repeat(b.astype(jnp.float32), 16)
    TBL = OUT * V + OUT * 16
    TBLP = (TBL + 63) // 64 * 64
    wb = jnp.concatenate(
        [w_flat, blanes, jnp.zeros((TBLP - TBL,), jnp.float32)])

    mesh = plsc.VectorSubcoreMesh(
        core_axis_name="c", subcore_axis_name="s", num_cores=1)

    @functools.partial(
        pl.kernel,
        mesh=mesh,
        compiler_params=pltpu.CompilerParams(
            use_tc_tiling_on_sc=False, needs_layout_passes=False,
            disable_bounds_checks=True, disable_semaphore_checks=True),
        out_type=jax.ShapeDtypeStruct((B * OUT,), jnp.float32),
        scratch_types=[
            pltpu.VMEM((L, bpw), jnp.int32),
            pltpu.VMEM((TBLP,), jnp.float32),
            pltpu.VMEM((bpw * OUT,), jnp.float32),
            pltpu.SemaphoreType.DMA,
            pltpu.SemaphoreType.DMA,
        ],
    )
    def sc_kernel(x_hbm, wb_hbm, out_hbm, xv, wv, ov, sem_x, sem_w):
        wid = lax.axis_index("s") * NC + lax.axis_index("c")
        base = wid * bpw
        cx = pltpu.async_copy(x_hbm.at[:, pl.ds(base, bpw)], xv, sem_x)
        cw = pltpu.async_copy(wb_hbm, wv, sem_w)
        cw.wait()
        cx.wait()

        lane = lax.iota(jnp.int32, 16)
        zero = jnp.zeros((16,), jnp.float32)
        unroll = 5

        def step(i, accs):
            accs = list(accs)
            for j in range(unroll):
                l = i * unroll + j
                for g in range(ngrp):
                    idx = xv[l, pl.ds(g * 16, 16)]
                    accs[2 * g] = accs[2 * g] + plsc.load_gather(wv, [idx])
                    accs[2 * g + 1] = (
                        accs[2 * g + 1] + plsc.load_gather(wv, [idx + V]))
            return tuple(accs)

        accs = lax.fori_loop(0, L // unroll, step, (zero,) * (2 * ngrp))
        b0 = wv[pl.ds(OUT * V, 16)]
        b1 = wv[pl.ds(OUT * V + 16, 16)]
        for g in range(ngrp):
            acc0 = accs[2 * g] + b0
            acc1 = accs[2 * g + 1] + b1
            s0 = 1.0 / (1.0 + jnp.exp(-acc0))
            s1 = 1.0 / (1.0 + jnp.exp(-acc1))
            d = s1 - s0
            pos = (g * 16 + lane) * OUT
            plsc.store_scatter(ov, [pos], -_log1pexp(d))
            plsc.store_scatter(ov, [pos + 1], -_log1pexp(-d))

        pltpu.sync_copy(ov, out_hbm.at[pl.ds(base * OUT, bpw * OUT)])

    return sc_kernel(x, wb).reshape(B, OUT)

# --- scband reference (transcript-rebuilt; emitter-appended) ---
"""Pipeline reference for scband-lr-unigram-26130581029527 (READ-ONLY COPY).

The authoritative reference and input builder live on the scoring server;
editing this copy changes nothing except your own understanding.
"""

import jax, jax.numpy as jnp
import numpy as np

V = 1000
B = 1024
L = 50
OUT = 2

def setup_inputs(seed: int = 0) -> dict:
    key = jax.random.key(seed)
    k1, k2, k3 = jax.random.split(key, 3)
    # x is [seq_len, batch] of token ids (module transposes internally)
    x = jax.random.randint(k1, (L, B), 0, V, dtype=jnp.int32)
    # frozen identity embedding table (requires_grad=False in torch)
    embed_weight = jnp.eye(V, dtype=jnp.float32)
    # linear layer params (torch nn.Linear: weight [out, in], bias [out])
    W = jax.random.normal(k2, (OUT, V), dtype=jnp.float32) * 0.02
    b = jax.random.normal(k3, (OUT,), dtype=jnp.float32) * 0.02
    return {"x": x, "embed_weight": embed_weight, "W": W, "b": b}

def reference(x, embed_weight, W, b):
    # x.t() -> [B, L]; embedding gather -> [B, L, V] (one-hot rows)
    x_embed = jnp.take(embed_weight, x.T, axis=0)
    # sum over sequence dim -> unigram count vector [B, V]
    x_flatten = jnp.sum(x_embed, axis=1)
    # linear -> [B, OUT]
    out = x_flatten @ W.T + b
    out = jax.nn.sigmoid(out)
    # torch nn.LogSoftmax() default on 2D input applies over dim=1
    return jax.nn.log_softmax(out, axis=1)

if __name__ == "__main__":
    import jax
    _d = setup_inputs()
    print(jax.jit(kernel)(*tuple(_d.values())))

</pallas_src>

<mosaic_0001>
#map = affine_map<(d0, d1) -> (0, 0)>
#map1 = affine_map<(d0, d1) -> (0)>
module attributes {stable_mosaic.version = 14 : i64} {
  func.func @sc_kernel(%arg0: i32, %arg1: i32, %arg2: memref<50x1024xi32, #tpu.memory_space<hbm>>, %arg3: memref<2048xf32, #tpu.memory_space<hbm>>, %arg4: memref<2048xf32, #tpu.memory_space<hbm>>, %arg5: memref<50x64xi32, #tpu.memory_space<vmem>>, %arg6: memref<2048xf32, #tpu.memory_space<vmem>>, %arg7: memref<128xf32, #tpu.memory_space<vmem>>, %arg8: memref<!tpu.dma_semaphore, #tpu.memory_space<semaphore_mem>>, %arg9: memref<!tpu.dma_semaphore, #tpu.memory_space<semaphore_mem>>) attributes {dimension_semantics = [#tpu.dimension_semantics<core_parallel>, #tpu.dimension_semantics<subcore_parallel>], iteration_bounds = array<i64: 1, 16>, scalar_prefetch = 0 : i64, scratch_operands = 5 : i64, tpu.core_type = #tpu.core_type<sc_vector_subcore>, window_params = [{transform_indices = #map}, {transform_indices = #map1}, {transform_indices = #map1}]} {
    %mul3A = arith.constant 1 : i32
    %mul3A_0 = arith.muli %arg1, %mul3A : i32
    %add3A = arith.addi %mul3A_0, %arg0 : i32
    %mul3A_1 = arith.constant 64 : i32
    %mul3A_2 = arith.muli %add3A, %mul3A_1 : i32
    %dma_start3A = arith.constant 0 : i32
    %dma_start3A_3 = tpu.memref_slice %arg2[%dma_start3A, %mul3A_2] : memref<50x1024xi32, #tpu.memory_space<hbm>> -> memref<50x64xi32, #tpu.memory_space<hbm>>
    %dma_start3A_4 = arith.constant 0 : i32
    %dma_start3A_5 = tpu.memref_slice %arg2[%dma_start3A_4, %mul3A_2] : memref<50x1024xi32, #tpu.memory_space<hbm>> -> memref<50x64xi32, #tpu.memory_space<hbm>>
    tpu.enqueue_dma source(%dma_start3A_5 : memref<50x64xi32, #tpu.memory_space<hbm>>) target(%arg5 : memref<50x64xi32, #tpu.memory_space<vmem>>) target_semaphore(%arg8 : memref<!tpu.dma_semaphore, #tpu.memory_space<semaphore_mem>>)
    tpu.enqueue_dma source(%arg3 : memref<2048xf32, #tpu.memory_space<hbm>>) target(%arg6 : memref<2048xf32, #tpu.memory_space<vmem>>) target_semaphore(%arg9 : memref<!tpu.dma_semaphore, #tpu.memory_space<semaphore_mem>>)
    tpu.wait_dma2 semaphore(%arg9 : memref<!tpu.dma_semaphore, #tpu.memory_space<semaphore_mem>>) src(%arg3 : memref<2048xf32, #tpu.memory_space<hbm>>) dst(%arg6 : memref<2048xf32, #tpu.memory_space<vmem>>)
    %dma_wait3A = arith.constant 0 : i32
    %dma_wait3A_6 = tpu.memref_slice %arg2[%dma_wait3A, %mul3A_2] : memref<50x1024xi32, #tpu.memory_space<hbm>> -> memref<50x64xi32, #tpu.memory_space<hbm>>
    %dma_wait3A_7 = arith.constant 0 : i32
    %dma_wait3A_8 = tpu.memref_slice %arg2[%dma_wait3A_7, %mul3A_2] : memref<50x1024xi32, #tpu.memory_space<hbm>> -> memref<50x64xi32, #tpu.memory_space<hbm>>
    tpu.wait_dma2 semaphore(%arg8 : memref<!tpu.dma_semaphore, #tpu.memory_space<semaphore_mem>>) src(%dma_wait3A_8 : memref<50x64xi32, #tpu.memory_space<hbm>>) dst(%arg5 : memref<50x64xi32, #tpu.memory_space<vmem>>)
    %iota3A = tpu.iota {dimensions = array<i32: 0>} : vector<16xi32>
    %broadcast_in_dim3A = arith.constant 0.000000e+00 : f32
    %broadcast_in_dim3A_9 = vector.broadcast %broadcast_in_dim3A : f32 to vector<16xf32>
    %scan3A = arith.constant 0 : i32
    %scan3A_10 = arith.constant 10 : i32
    %scan3A_11 = arith.addi %scan3A, %scan3A_10 : i32
    %scan3A_12 = arith.constant 1 : i32
    %scan3A_13:8 = scf.for %scan3A_404 = %scan3A to %scan3A_11 step %scan3A_12 iter_args(%scan3A_405 = %broadcast_in_dim3A_9, %scan3A_406 = %broadcast_in_dim3A_9, %scan3A_407 = %broadcast_in_dim3A_9, %scan3A_408 = %broadcast_in_dim3A_9, %scan3A_409 = %broadcast_in_dim3A_9, %scan3A_410 = %broadcast_in_dim3A_9, %scan3A_411 = %broadcast_in_dim3A_9, %scan3A_412 = %broadcast_in_dim3A_9) -> (vector<16xf32>, vector<16xf32>, vector<16xf32>, vector<16xf32>, vector<16xf32>, vector<16xf32>, vector<16xf32>, vector<16xf32>)  : i32 {
      %mul3A_413 = arith.constant 5 : i32
      %mul3A_414 = arith.muli %scan3A_404, %mul3A_413 : i32
      %add3A_415 = arith.constant 0 : i32
      %add3A_416 = arith.addi %mul3A_414, %add3A_415 : i32
      %get3A_417 = arith.index_cast %add3A_416 : i32 to index
      %get3A_418 = arith.constant 0 : index
      %get3A_419 = tpu.vector_load %arg5[%get3A_417, %get3A_418] {strides = array<i32>} : memref<50x64xi32, #tpu.memory_space<vmem>>, vector<16xi32>,
      %gather3A = tpu.vector_load_idx %arg6[%get3A_419] : memref<2048xf32, #tpu.memory_space<vmem>>[vector<16xi32>], vector<16xf32>,
      %add3A_420 = arith.addf %scan3A_405, %gather3A : vector<16xf32>
      %add3A_421 = arith.constant 1000 : i32
      %add3A_422 = vector.broadcast %add3A_421 : i32 to vector<16xi32>
      %add3A_423 = arith.addi %get3A_419, %add3A_422 : vector<16xi32>
      %gather3A_424 = tpu.vector_load_idx %arg6[%add3A_423] : memref<2048xf32, #tpu.memory_space<vmem>>[vector<16xi32>], vector<16xf32>,
      %add3A_425 = arith.addf %scan3A_406, %gather3A_424 : vector<16xf32>
      %get3A_426 = arith.index_cast %add3A_416 : i32 to index
      %get3A_427 = arith.constant 16 : index
      %get3A_428 = tpu.vector_load %arg5[%get3A_426, %get3A_427] {strides = array<i32>} : memref<50x64xi32, #tpu.memory_space<vmem>>, vector<16xi32>,
      %gather3A_429 = tpu.vector_load_idx %arg6[%get3A_428] : memref<2048xf32, #tpu.memory_space<vmem>>[vector<16xi32>], vector<16xf32>,
      %add3A_430 = arith.addf %scan3A_407, %gather3A_429 : vector<16xf32>
      %add3A_431 = arith.constant 1000 : i32
      %add3A_432 = vector.broadcast %add3A_431 : i32 to vector<16xi32>
      %add3A_433 = arith.addi %get3A_428, %add3A_432 : vector<16xi32>
      %gather3A_434 = tpu.vector_load_idx %arg6[%add3A_433] : memref<2048xf32, #tpu.memory_space<vmem>>[vector<16xi32>], vector<16xf32>,
      %add3A_435 = arith.addf %scan3A_408, %gather3A_434 : vector<16xf32>
      %get3A_436 = arith.index_cast %add3A_416 : i32 to index
      %get3A_437 = arith.constant 32 : index
      %get3A_438 = tpu.vector_load %arg5[%get3A_436, %get3A_437] {strides = array<i32>} : memref<50x64xi32, #tpu.memory_space<vmem>>, vector<16xi32>,
      %gather3A_439 = tpu.vector_load_idx %arg6[%get3A_438] : memref<2048xf32, #tpu.memory_space<vmem>>[vector<16xi32>], vector<16xf32>,
      %add3A_440 = arith.addf %scan3A_409, %gather3A_439 : vector<16xf32>
      %add3A_441 = arith.constant 1000 : i32
      %add3A_442 = vector.broadcast %add3A_441 : i32 to vector<16xi32>
      %add3A_443 = arith.addi %get3A_438, %add3A_442 : vector<16xi32>
      %gather3A_444 = tpu.vector_load_idx %arg6[%add3A_443] : memref<2048xf32, #tpu.memory_space<vmem>>[vector<16xi32>], vector<16xf32>,
      %add3A_445 = arith.addf %scan3A_410, %gather3A_444 : vector<16xf32>
      %get3A_446 = arith.index_cast %add3A_416 : i32 to index
      %get3A_447 = arith.constant 48 : index
      %get3A_448 = tpu.vector_load %arg5[%get3A_446, %get3A_447] {strides = array<i32>} : memref<50x64xi32, #tpu.memory_space<vmem>>, vector<16xi32>,
      %gather3A_449 = tpu.vector_load_idx %arg6[%get3A_448] : memref<2048xf32, #tpu.memory_space<vmem>>[vector<16xi32>], vector<16xf32>,
      %add3A_450 = arith.addf %scan3A_411, %gather3A_449 : vector<16xf32>
      %add3A_451 = arith.constant 1000 : i32
      %add3A_452 = vector.broadcast %add3A_451 : i32 to vector<16xi32>
      %add3A_453 = arith.addi %get3A_448, %add3A_452 : vector<16xi32>
      %gather3A_454 = tpu.vector_load_idx %arg6[%add3A_453] : memref<2048xf32, #tpu.memory_space<vmem>>[vector<16xi32>], vector<16xf32>,
      %add3A_455 = arith.addf %scan3A_412, %gather3A_454 : vector<16xf32>
      %mul3A_456 = arith.constant 5 : i32
      %mul3A_457 = arith.muli %scan3A_404, %mul3A_456 : i32
      %add3A_458 = arith.constant 1 : i32
      %add3A_459 = arith.addi %mul3A_457, %add3A_458 : i32
      %get3A_460 = arith.index_cast %add3A_459 : i32 to index
      %get3A_461 = arith.constant 0 : index
      %get3A_462 = tpu.vector_load %arg5[%get3A_460, %get3A_461] {strides = array<i32>} : memref<50x64xi32, #tpu.memory_space<vmem>>, vector<16xi32>,
      %gather3A_463 = tpu.vector_load_idx %arg6[%get3A_462] : memref<2048xf32, #tpu.memory_space<vmem>>[vector<16xi32>], vector<16xf32>,
      %add3A_464 = arith.addf %add3A_420, %gather3A_463 : vector<16xf32>
      %add3A_465 = arith.constant 1000 : i32
      %add3A_466 = vector.broadcast %add3A_465 : i32 to vector<16xi32>
      %add3A_467 = arith.addi %get3A_462, %add3A_466 : vector<16xi32>
      %gather3A_468 = tpu.vector_load_idx %arg6[%add3A_467] : memref<2048xf32, #tpu.memory_space<vmem>>[vector<16xi32>], vector<16xf32>,
      %add3A_469 = arith.addf %add3A_425, %gather3A_468 : vector<16xf32>
      %get3A_470 = arith.index_cast %add3A_459 : i32 to index
      %get3A_471 = arith.constant 16 : index
      %get3A_472 = tpu.vector_load %arg5[%get3A_470, %get3A_471] {strides = array<i32>} : memref<50x64xi32, #tpu.memory_space<vmem>>, vector<16xi32>,
      %gather3A_473 = tpu.vector_load_idx %arg6[%get3A_472] : memref<2048xf32, #tpu.memory_space<vmem>>[vector<16xi32>], vector<16xf32>,
      %add3A_474 = arith.addf %add3A_430, %gather3A_473 : vector<16xf32>
      %add3A_475 = arith.constant 1000 : i32
      %add3A_476 = vector.broadcast %add3A_475 : i32 to vector<16xi32>
      %add3A_477 = arith.addi %get3A_472, %add3A_476 : vector<16xi32>
      %gather3A_478 = tpu.vector_load_idx %arg6[%add3A_477] : memref<2048xf32, #tpu.memory_space<vmem>>[vector<16xi32>], vector<16xf32>,
      %add3A_479 = arith.addf %add3A_435, %gather3A_478 : vector<16xf32>
      %get3A_480 = arith.index_cast %add3A_459 : i32 to index
      %get3A_481 = arith.constant 32 : index
      %get3A_482 = tpu.vector_load %arg5[%get3A_480, %get3A_481] {strides = array<i32>} : memref<50x64xi32, #tpu.memory_space<vmem>>, vector<16xi32>,
      %gather3A_483 = tpu.vector_load_idx %arg6[%get3A_482] : memref<2048xf32, #tpu.memory_space<vmem>>[vector<16xi32>], vector<16xf32>,
      %add3A_484 = arith.addf %add3A_440, %gather3A_483 : vector<16xf32>
      %add3A_485 = arith.constant 1000 : i32
      %add3A_486 = vector.broadcast %add3A_485 : i32 to vector<16xi32>
      %add3A_487 = arith.addi %get3A_482, %add3A_486 : vector<16xi32>
      %gather3A_488 = tpu.vector_load_idx %arg6[%add3A_487] : memref<2048xf32, #tpu.memory_space<vmem>>[vector<16xi32>], vector<16xf32>,
      %add3A_489 = arith.addf %add3A_445, %gather3A_488 : vector<16xf32>
      %get3A_490 = arith.index_cast %add3A_459 : i32 to index
      %get3A_491 = arith.constant 48 : index
      %get3A_492 = tpu.vector_load %arg5[%get3A_490, %get3A_491] {strides = array<i32>} : memref<50x64xi32, #tpu.memory_space<vmem>>, vector<16xi32>,
      %gather3A_493 = tpu.vector_load_idx %arg6[%get3A_492] : memref<2048xf32, #tpu.memory_space<vmem>>[vector<16xi32>], vector<16xf32>,
      %add3A_494 = arith.addf %add3A_450, %gather3A_493 : vector<16xf32>
      %add3A_495 = arith.constant 1000 : i32
      %add3A_496 = vector.broadcast %add3A_495 : i32 to vector<16xi32>
      %add3A_497 = arith.addi %get3A_492, %add3A_496 : vector<16xi32>
      %gather3A_498 = tpu.vector_load_idx %arg6[%add3A_497] : memref<2048xf32, #tpu.memory_space<vmem>>[vector<16xi32>], vector<16xf32>,
      %add3A_499 = arith.addf %add3A_455, %gather3A_498 : vector<16xf32>
      %mul3A_500 = arith.constant 5 : i32
      %mul3A_501 = arith.muli %scan3A_404, %mul3A_500 : i32
      %add3A_502 = arith.constant 2 : i32
      %add3A_503 = arith.addi %mul3A_501, %add3A_502 : i32
      %get3A_504 = arith.index_cast %add3A_503 : i32 to index
      %get3A_505 = arith.constant 0 : index
      %get3A_506 = tpu.vector_load %arg5[%get3A_504, %get3A_505] {strides = array<i32>} : memref<50x64xi32, #tpu.memory_space<vmem>>, vector<16xi32>,
      %gather3A_507 = tpu.vector_load_idx %arg6[%get3A_506] : memref<2048xf32, #tpu.memory_space<vmem>>[vector<16xi32>], vector<16xf32>,
      %add3A_508 = arith.addf %add3A_464, %gather3A_507 : vector<16xf32>
      %add3A_509 = arith.constant 1000 : i32
      %add3A_510 = vector.broadcast %add3A_509 : i32 to vector<16xi32>
      %add3A_511 = arith.addi %get3A_506, %add3A_510 : vector<16xi32>
      %gather3A_512 = tpu.vector_load_idx %arg6[%add3A_511] : memref<2048xf32, #tpu.memory_space<vmem>>[vector<16xi32>], vector<16xf32>,
      %add3A_513 = arith.addf %add3A_469, %gather3A_512 : vector<16xf32>
      %get3A_514 = arith.index_cast %add3A_503 : i32 to index
      %get3A_515 = arith.constant 16 : index
      %get3A_516 = tpu.vector_load %arg5[%get3A_514, %get3A_515] {strides = array<i32>} : memref<50x64xi32, #tpu.memory_space<vmem>>, vector<16xi32>,
      %gather3A_517 = tpu.vector_load_idx %arg6[%get3A_516] : memref<2048xf32, #tpu.memory_space<vmem>>[vector<16xi32>], vector<16xf32>,
      %add3A_518 = arith.addf %add3A_474, %gather3A_517 : vector<16xf32>
      %add3A_519 = arith.constant 1000 : i32
      %add3A_520 = vector.broadcast %add3A_519 : i32 to vector<16xi32>
      %add3A_521 = arith.addi %get3A_516, %add3A_520 : vector<16xi32>
      %gather3A_522 = tpu.vector_load_idx %arg6[%add3A_521] : memref<2048xf32, #tpu.memory_space<vmem>>[vector<16xi32>], vector<16xf32>,
      %add3A_523 = arith.addf %add3A_479, %gather3A_522 : vector<16xf32>
      %get3A_524 = arith.index_cast %add3A_503 : i32 to index
      %get3A_525 = arith.constant 32 : index
      %get3A_526 = tpu.vector_load %arg5[%get3A_524, %get3A_525] {strides = array<i32>} : memref<50x64xi32, #tpu.memory_space<vmem>>, vector<16xi32>,
      %gather3A_527 = tpu.vector_load_idx %arg6[%get3A_526] : memref<2048xf32, #tpu.memory_space<vmem>>[vector<16xi32>], vector<16xf32>,
      %add3A_528 = arith.addf %add3A_484, %gather3A_527 : vector<16xf32>
      %add3A_529 = arith.constant 1000 : i32
      %add3A_530 = vector.broadcast %add3A_529 : i32 to vector<16xi32>
      %add3A_531 = arith.addi %get3A_526, %add3A_530 : vector<16xi32>
      %gather3A_532 = tpu.vector_load_idx %arg6[%add3A_531] : memref<2048xf32, #tpu.memory_space<vmem>>[vector<16xi32>], vector<16xf32>,
      %add3A_533 = arith.addf %add3A_489, %gather3A_532 : vector<16xf32>
      %get3A_534 = arith.index_cast %add3A_503 : i32 to index
      %get3A_535 = arith.constant 48 : index
      %get3A_536 = tpu.vector_load %arg5[%get3A_534, %get3A_535] {strides = array<i32>} : memref<50x64xi32, #tpu.memory_space<vmem>>, vector<16xi32>,
      %gather3A_537 = tpu.vector_load_idx %arg6[%get3A_536] : memref<2048xf32, #tpu.memory_space<vmem>>[vector<16xi32>], vector<16xf32>,
      %add3A_538 = arith.addf %add3A_494, %gather3A_537 : vector<16xf32>
      %add3A_539 = arith.constant 1000 : i32
      %add3A_540 = vector.broadcast %add3A_539 : i32 to vector<16xi32>
      %add3A_541 = arith.addi %get3A_536, %add3A_540 : vector<16xi32>
      %gather3A_542 = tpu.vector_load_idx %arg6[%add3A_541] : memref<2048xf32, #tpu.memory_space<vmem>>[vector<16xi32>], vector<16xf32>,
      %add3A_543 = arith.addf %add3A_499, %gather3A_542 : vector<16xf32>
      %mul3A_544 = arith.constant 5 : i32
      %mul3A_545 = arith.muli %scan3A_404, %mul3A_544 : i32
      %add3A_546 = arith.constant 3 : i32
      %add3A_547 = arith.addi %mul3A_545, %add3A_546 : i32
      %get3A_548 = arith.index_cast %add3A_547 : i32 to index
      %get3A_549 = arith.constant 0 : index
      %get3A_550 = tpu.vector_load %arg5[%get3A_548, %get3A_549] {strides = array<i32>} : memref<50x64xi32, #tpu.memory_space<vmem>>, vector<16xi32>,
      %gather3A_551 = tpu.vector_load_idx %arg6[%get3A_550] : memref<2048xf32, #tpu.memory_space<vmem>>[vector<16xi32>], vector<16xf32>,
      %add3A_552 = arith.addf %add3A_508, %gather3A_551 : vector<16xf32>
      %add3A_553 = arith.constant 1000 : i32
      %add3A_554 = vector.broadcast %add3A_553 : i32 to vector<16xi32>
      %add3A_555 = arith.addi %get3A_550, %add3A_554 : vector<16xi32>
      %gather3A_556 = tpu.vector_load_idx %arg6[%add3A_555] : memref<2048xf32, #tpu.memory_space<vmem>>[vector<16xi32>], vector<16xf32>,
      %add3A_557 = arith.addf %add3A_513, %gather3A_556 : vector<16xf32>
      %get3A_558 = arith.index_cast %add3A_547 : i32 to index
      %get3A_559 = arith.constant 16 : index
      %get3A_560 = tpu.vector_load %arg5[%get3A_558, %get3A_559] {strides = array<i32>} : memref<50x64xi32, #tpu.memory_space<vmem>>, vector<16xi32>,
      %gather3A_561 = tpu.vector_load_idx %arg6[%get3A_560] : memref<2048xf32, #tpu.memory_space<vmem>>[vector<16xi32>], vector<16xf32>,
      %add3A_562 = arith.addf %add3A_518, %gather3A_561 : vector<16xf32>
      %add3A_563 = arith.constant 1000 : i32
      %add3A_564 = vector.broadcast %add3A_563 : i32 to vector<16xi32>
      %add3A_565 = arith.addi %get3A_560, %add3A_564 : vector<16xi32>
      %gather3A_566 = tpu.vector_load_idx %arg6[%add3A_565] : memref<2048xf32, #tpu.memory_space<vmem>>[vector<16xi32>], vector<16xf32>,
      %add3A_567 = arith.addf %add3A_523, %gather3A_566 : vector<16xf32>
      %get3A_568 = arith.index_cast %add3A_547 : i32 to index
      %get3A_569 = arith.constant 32 : index
      %get3A_570 = tpu.vector_load %arg5[%get3A_568, %get3A_569] {strides = array<i32>} : memref<50x64xi32, #tpu.memory_space<vmem>>, vector<16xi32>,
      %gather3A_571 = tpu.vector_load_idx %arg6[%get3A_570] : memref<2048xf32, #tpu.memory_space<vmem>>[vector<16xi32>], vector<16xf32>,
      %add3A_572 = arith.addf %add3A_528, %gather3A_571 : vector<16xf32>
      %add3A_573 = arith.constant 1000 : i32
      %add3A_574 = vector.broadcast %add3A_573 : i32 to vector<16xi32>
      %add3A_575 = arith.addi %get3A_570, %add3A_574 : vector<16xi32>
      %gather3A_576 = tpu.vector_load_idx %arg6[%add3A_575] : memref<2048xf32, #tpu.memory_space<vmem>>[vector<16xi32>], vector<16xf32>,
      %add3A_577 = arith.addf %add3A_533, %gather3A_576 : vector<16xf32>
      %get3A_578 = arith.index_cast %add3A_547 : i32 to index
      %get3A_579 = arith.constant 48 : index
      %get3A_580 = tpu.vector_load %arg5[%get3A_578, %get3A_579] {strides = array<i32>} : memref<50x64xi32, #tpu.memory_space<vmem>>, vector<16xi32>,
      %gather3A_581 = tpu.vector_load_idx %arg6[%get3A_580] : memref<2048xf32, #tpu.memory_space<vmem>>[vector<16xi32>], vector<16xf32>,
      %add3A_582 = arith.addf %add3A_538, %gather3A_581 : vector<16xf32>
      %add3A_583 = arith.constant 1000 : i32
      %add3A_584 = vector.broadcast %add3A_583 : i32 to vector<16xi32>
      %add3A_585 = arith.addi %get3A_580, %add3A_584 : vector<16xi32>
      %gather3A_586 = tpu.vector_load_idx %arg6[%add3A_585] : memref<2048xf32, #tpu.memory_space<vmem>>[vector<16xi32>], vector<16xf32>,
      %add3A_587 = arith.addf %add3A_543, %gather3A_586 : vector<16xf32>
      %mul3A_588 = arith.constant 5 : i32
      %mul3A_589 = arith.muli %scan3A_404, %mul3A_588 : i32
      %add3A_590 = arith.constant 4 : i32
      %add3A_591 = arith.addi %mul3A_589, %add3A_590 : i32
      %get3A_592 = arith.index_cast %add3A_591 : i32 to index
      %get3A_593 = arith.constant 0 : index
      %get3A_594 = tpu.vector_load %arg5[%get3A_592, %get3A_593] {strides = array<i32>} : memref<50x64xi32, #tpu.memory_space<vmem>>, vector<16xi32>,
      %gather3A_595 = tpu.vector_load_idx %arg6[%get3A_594] : memref<2048xf32, #tpu.memory_space<vmem>>[vector<16xi32>], vector<16xf32>,
      %add3A_596 = arith.addf %add3A_552, %gather3A_595 : vector<16xf32>
      %add3A_597 = arith.constant 1000 : i32
      %add3A_598 = vector.broadcast %add3A_597 : i32 to vector<16xi32>
      %add3A_599 = arith.addi %get3A_594, %add3A_598 : vector<16xi32>
      %gather3A_600 = tpu.vector_load_idx %arg6[%add3A_599] : memref<2048xf32, #tpu.memory_space<vmem>>[vector<16xi32>], vector<16xf32>,
      %add3A_601 = arith.addf %add3A_557, %gather3A_600 : vector<16xf32>
      %get3A_602 = arith.index_cast %add3A_591 : i32 to index
      %get3A_603 = arith.constant 16 : index
      %get3A_604 = tpu.vector_load %arg5[%get3A_602, %get3A_603] {strides = array<i32>} : memref<50x64xi32, #tpu.memory_space<vmem>>, vector<16xi32>,
      %gather3A_605 = tpu.vector_load_idx %arg6[%get3A_604] : memref<2048xf32, #tpu.memory_space<vmem>>[vector<16xi32>], vector<16xf32>,
      %add3A_606 = arith.addf %add3A_562, %gather3A_605 : vector<16xf32>
      %add3A_607 = arith.constant 1000 : i32
      %add3A_608 = vector.broadcast %add3A_607 : i32 to vector<16xi32>
      %add3A_609 = arith.addi %get3A_604, %add3A_608 : vector<16xi32>
      %gather3A_610 = tpu.vector_load_idx %arg6[%add3A_609] : memref<2048xf32, #tpu.memory_space<vmem>>[vector<16xi32>], vector<16xf32>,
      %add3A_611 = arith.addf %add3A_567, %gather3A_610 : vector<16xf32>
      %get3A_612 = arith.index_cast %add3A_591 : i32 to index
      %get3A_613 = arith.constant 32 : index
      %get3A_614 = tpu.vector_load %arg5[%get3A_612, %get3A_613] {strides = array<i32>} : memref<50x64xi32, #tpu.memory_space<vmem>>, vector<16xi32>,
      %gather3A_615 = tpu.vector_load_idx %arg6[%get3A_614] : memref<2048xf32, #tpu.memory_space<vmem>>[vector<16xi32>], vector<16xf32>,
      %add3A_616 = arith.addf %add3A_572, %gather3A_615 : vector<16xf32>
      %add3A_617 = arith.constant 1000 : i32
      %add3A_618 = vector.broadcast %add3A_617 : i32 to vector<16xi32>
      %add3A_619 = arith.addi %get3A_614, %add3A_618 : vector<16xi32>
      %gather3A_620 = tpu.vector_load_idx %arg6[%add3A_619] : memref<2048xf32, #tpu.memory_space<vmem>>[vector<16xi32>], vector<16xf32>,
      %add3A_621 = arith.addf %add3A_577, %gather3A_620 : vector<16xf32>
      %get3A_622 = arith.index_cast %add3A_591 : i32 to index
      %get3A_623 = arith.constant 48 : index
      %get3A_624 = tpu.vector_load %arg5[%get3A_622, %get3A_623] {strides = array<i32>} : memref<50x64xi32, #tpu.memory_space<vmem>>, vector<16xi32>,
      %gather3A_625 = tpu.vector_load_idx %arg6[%get3A_624] : memref<2048xf32, #tpu.memory_space<vmem>>[vector<16xi32>], vector<16xf32>,
      %add3A_626 = arith.addf %add3A_582, %gather3A_625 : vector<16xf32>
      %add3A_627 = arith.constant 1000 : i32
      %add3A_628 = vector.broadcast %add3A_627 : i32 to vector<16xi32>
      %add3A_629 = arith.addi %get3A_624, %add3A_628 : vector<16xi32>
      %gather3A_630 = tpu.vector_load_idx %arg6[%add3A_629] : memref<2048xf32, #tpu.memory_space<vmem>>[vector<16xi32>], vector<16xf32>,
      %add3A_631 = arith.addf %add3A_587, %gather3A_630 : vector<16xf32>
      scf.yield %add3A_596, %add3A_601, %add3A_606, %add3A_611, %add3A_616, %add3A_621, %add3A_626, %add3A_631 : vector<16xf32>, vector<16xf32>, vector<16xf32>, vector<16xf32>, vector<16xf32>, vector<16xf32>, vector<16xf32>, vector<16xf32>
    }
    %scan3A_14 = arith.constant 10 : i32
    %get3A = arith.constant 2000 : index
    %get3A_15 = tpu.vector_load %arg6[%get3A] {strides = array<i32>} : memref<2048xf32, #tpu.memory_space<vmem>>, vector<16xf32>,
    %get3A_16 = arith.constant 2016 : index
    %get3A_17 = tpu.vector_load %arg6[%get3A_16] {strides = array<i32>} : memref<2048xf32, #tpu.memory_space<vmem>>, vector<16xf32>,
    %add3A_18 = arith.addf %scan3A_13#0, %get3A_15 : vector<16xf32>
    %add3A_19 = arith.addf %scan3A_13#1, %get3A_17 : vector<16xf32>
    %neg3A = arith.constant 0.000000e+00 : f32
    %neg3A_20 = vector.broadcast %neg3A : f32 to vector<16xf32>
    %neg3A_21 = arith.subf %neg3A_20, %add3A_18 : vector<16xf32>
    %exp3A = math.exp %neg3A_21 : vector<16xf32>
    %add3A_22 = arith.constant 1.000000e+00 : f32
    %add3A_23 = vector.broadcast %add3A_22 : f32 to vector<16xf32>
    %add3A_24 = arith.addf %add3A_23, %exp3A : vector<16xf32>
    %div3A = arith.constant 1.000000e+00 : f32
    %div3A_25 = vector.broadcast %div3A : f32 to vector<16xf32>
    %div3A_26 = arith.divf %div3A_25, %add3A_24 : vector<16xf32>
    %neg3A_27 = arith.constant 0.000000e+00 : f32
    %neg3A_28 = vector.broadcast %neg3A_27 : f32 to vector<16xf32>
    %neg3A_29 = arith.subf %neg3A_28, %add3A_19 : vector<16xf32>
    %exp3A_30 = math.exp %neg3A_29 : vector<16xf32>
    %add3A_31 = arith.constant 1.000000e+00 : f32
    %add3A_32 = vector.broadcast %add3A_31 : f32 to vector<16xf32>
    %add3A_33 = arith.addf %add3A_32, %exp3A_30 : vector<16xf32>
    %div3A_34 = arith.constant 1.000000e+00 : f32
    %div3A_35 = vector.broadcast %div3A_34 : f32 to vector<16xf32>
    %div3A_36 = arith.divf %div3A_35, %add3A_33 : vector<16xf32>
    %sub3A = arith.subf %div3A_36, %div3A_26 : vector<16xf32>
    %add3A_37 = arith.constant 0 : i32
    %add3A_38 = vector.broadcast %add3A_37 : i32 to vector<16xi32>
    %add3A_39 = arith.addi %add3A_38, %iota3A : vector<16xi32>
    %mul3A_40 = arith.constant 2 : i32
    %mul3A_41 = vector.broadcast %mul3A_40 : i32 to vector<16xi32>
    %mul3A_42 = arith.muli %add3A_39, %mul3A_41 : vector<16xi32>
    %exp3A_43 = math.exp %sub3A : vector<16xf32>
    %add3A_44 = arith.constant 1.000000e+00 : f32
    %add3A_45 = vector.broadcast %add3A_44 : f32 to vector<16xf32>
    %add3A_46 = arith.addf %add3A_45, %exp3A_43 : vector<16xf32>
    %mul3A_47 = arith.constant 4.254600e-01 : f32
    %mul3A_48 = vector.broadcast %mul3A_47 : f32 to vector<16xf32>
    %mul3A_49 = arith.mulf %mul3A_48, %add3A_46 : vector<16xf32>
    %sub3A_50 = arith.constant 2.071700e-01 : f32
    %sub3A_51 = vector.broadcast %sub3A_50 : f32 to vector<16xf32>
    %sub3A_52 = arith.subf %mul3A_49, %sub3A_51 : vector<16xf32>
    %neg3A_53 = arith.constant 0.000000e+00 : f32
    %neg3A_54 = vector.broadcast %neg3A_53 : f32 to vector<16xf32>
    %neg3A_55 = arith.subf %neg3A_54, %sub3A_52 : vector<16xf32>
    %exp3A_56 = math.exp %neg3A_55 : vector<16xf32>
    %mul3A_57 = arith.mulf %add3A_46, %exp3A_56 : vector<16xf32>
    %add3A_58 = arith.addf %sub3A_52, %mul3A_57 : vector<16xf32>
    %sub3A_59 = arith.constant 1.000000e+00 : f32
    %sub3A_60 = vector.broadcast %sub3A_59 : f32 to vector<16xf32>
    %sub3A_61 = arith.subf %add3A_58, %sub3A_60 : vector<16xf32>
    %neg3A_62 = arith.constant 0.000000e+00 : f32
    %neg3A_63 = vector.broadcast %neg3A_62 : f32 to vector<16xf32>
    %neg3A_64 = arith.subf %neg3A_63, %sub3A_61 : vector<16xf32>
    %exp3A_65 = math.exp %neg3A_64 : vector<16xf32>
    %mul3A_66 = arith.mulf %add3A_46, %exp3A_65 : vector<16xf32>
    %add3A_67 = arith.addf %sub3A_61, %mul3A_66 : vector<16xf32>
    %sub3A_68 = arith.constant 1.000000e+00 : f32
    %sub3A_69 = vector.broadcast %sub3A_68 : f32 to vector<16xf32>
    %sub3A_70 = arith.subf %add3A_67, %sub3A_69 : vector<16xf32>
    %neg3A_71 = arith.constant 0.000000e+00 : f32
    %neg3A_72 = vector.broadcast %neg3A_71 : f32 to vector<16xf32>
    %neg3A_73 = arith.subf %neg3A_72, %sub3A_70 : vector<16xf32>
    tpu.vector_store_idx %arg7[%mul3A_42], %neg3A_73 : memref<128xf32, #tpu.memory_space<vmem>>[vector<16xi32>], vector<16xf32>,
    %add3A_74 = arith.constant 1 : i32
    %add3A_75 = vector.broadcast %add3A_74 : i32 to vector<16xi32>
    %add3A_76 = arith.addi %mul3A_42, %add3A_75 : vector<16xi32>
    %neg3A_77 = arith.constant 0.000000e+00 : f32
    %neg3A_78 = vector.broadcast %neg3A_77 : f32 to vector<16xf32>
    %neg3A_79 = arith.subf %neg3A_78, %sub3A : vector<16xf32>
    %exp3A_80 = math.exp %neg3A_79 : vector<16xf32>
    %add3A_81 = arith.constant 1.000000e+00 : f32
    %add3A_82 = vector.broadcast %add3A_81 : f32 to vector<16xf32>
    %add3A_83 = arith.addf %add3A_82, %exp3A_80 : vector<16xf32>
    %mul3A_84 = arith.constant 4.254600e-01 : f32
    %mul3A_85 = vector.broadcast %mul3A_84 : f32 to vector<16xf32>
    %mul3A_86 = arith.mulf %mul3A_85, %add3A_83 : vector<16xf32>
    %sub3A_87 = arith.constant 2.071700e-01 : f32
    %sub3A_88 = vector.broadcast %sub3A_87 : f32 to vector<16xf32>
    %sub3A_89 = arith.subf %mul3A_86, %sub3A_88 : vector<16xf32>
    %neg3A_90 = arith.constant 0.000000e+00 : f32
    %neg3A_91 = vector.broadcast %neg3A_90 : f32 to vector<16xf32>
    %neg3A_92 = arith.subf %neg3A_91, %sub3A_89 : vector<16xf32>
    %exp3A_93 = math.exp %neg3A_92 : vector<16xf32>
    %mul3A_94 = arith.mulf %add3A_83, %exp3A_93 : vector<16xf32>
    %add3A_95 = arith.addf %sub3A_89, %mul3A_94 : vector<16xf32>
    %sub3A_96 = arith.constant 1.000000e+00 : f32
    %sub3A_97 = vector.broadcast %sub3A_96 : f32 to vector<16xf32>
    %sub3A_98 = arith.subf %add3A_95, %sub3A_97 : vector<16xf32>
    %neg3A_99 = arith.constant 0.000000e+00 : f32
    %neg3A_100 = vector.broadcast %neg3A_99 : f32 to vector<16xf32>
    %neg3A_101 = arith.subf %neg3A_100, %sub3A_98 : vector<16xf32>
    %exp3A_102 = math.exp %neg3A_101 : vector<16xf32>
    %mul3A_103 = arith.mulf %add3A_83, %exp3A_102 : vector<16xf32>
    %add3A_104 = arith.addf %sub3A_98, %mul3A_103 : vector<16xf32>
    %sub3A_105 = arith.constant 1.000000e+00 : f32
    %sub3A_106 = vector.broadcast %sub3A_105 : f32 to vector<16xf32>
    %sub3A_107 = arith.subf %add3A_104, %sub3A_106 : vector<16xf32>
    %neg3A_108 = arith.constant 0.000000e+00 : f32
    %neg3A_109 = vector.broadcast %neg3A_108 : f32 to vector<16xf32>
    %neg3A_110 = arith.subf %neg3A_109, %sub3A_107 : vector<16xf32>
    tpu.vector_store_idx %arg7[%add3A_76], %neg3A_110 : memref<128xf32, #tpu.memory_space<vmem>>[vector<16xi32>], vector<16xf32>,
    %add3A_111 = arith.addf %scan3A_13#2, %get3A_15 : vector<16xf32>
    %add3A_112 = arith.addf %scan3A_13#3, %get3A_17 : vector<16xf32>
    %neg3A_113 = arith.constant 0.000000e+00 : f32
    %neg3A_114 = vector.broadcast %neg3A_113 : f32 to vector<16xf32>
    %neg3A_115 = arith.subf %neg3A_114, %add3A_111 : vector<16xf32>
    %exp3A_116 = math.exp %neg3A_115 : vector<16xf32>
    %add3A_117 = arith.constant 1.000000e+00 : f32
    %add3A_118 = vector.broadcast %add3A_117 : f32 to vector<16xf32>
    %add3A_119 = arith.addf %add3A_118, %exp3A_116 : vector<16xf32>
    %div3A_120 = arith.constant 1.000000e+00 : f32
    %div3A_121 = vector.broadcast %div3A_120 : f32 to vector<16xf32>
    %div3A_122 = arith.divf %div3A_121, %add3A_119 : vector<16xf32>
    %neg3A_123 = arith.constant 0.000000e+00 : f32
    %neg3A_124 = vector.broadcast %neg3A_123 : f32 to vector<16xf32>
    %neg3A_125 = arith.subf %neg3A_124, %add3A_112 : vector<16xf32>
    %exp3A_126 = math.exp %neg3A_125 : vector<16xf32>
    %add3A_127 = arith.constant 1.000000e+00 : f32
    %add3A_128 = vector.broadcast %add3A_127 : f32 to vector<16xf32>
    %add3A_129 = arith.addf %add3A_128, %exp3A_126 : vector<16xf32>
    %div3A_130 = arith.constant 1.000000e+00 : f32
    %div3A_131 = vector.broadcast %div3A_130 : f32 to vector<16xf32>
    %div3A_132 = arith.divf %div3A_131, %add3A_129 : vector<16xf32>
    %sub3A_133 = arith.subf %div3A_132, %div3A_122 : vector<16xf32>
    %add3A_134 = arith.constant 16 : i32
    %add3A_135 = vector.broadcast %add3A_134 : i32 to vector<16xi32>
    %add3A_136 = arith.addi %add3A_135, %iota3A : vector<16xi32>
    %mul3A_137 = arith.constant 2 : i32
    %mul3A_138 = vector.broadcast %mul3A_137 : i32 to vector<16xi32>
    %mul3A_139 = arith.muli %add3A_136, %mul3A_138 : vector<16xi32>
    %exp3A_140 = math.exp %sub3A_133 : vector<16xf32>
    %add3A_141 = arith.constant 1.000000e+00 : f32
    %add3A_142 = vector.broadcast %add3A_141 : f32 to vector<16xf32>
    %add3A_143 = arith.addf %add3A_142, %exp3A_140 : vector<16xf32>
    %mul3A_144 = arith.constant 4.254600e-01 : f32
    %mul3A_145 = vector.broadcast %mul3A_144 : f32 to vector<16xf32>
    %mul3A_146 = arith.mulf %mul3A_145, %add3A_143 : vector<16xf32>
    %sub3A_147 = arith.constant 2.071700e-01 : f32
    %sub3A_148 = vector.broadcast %sub3A_147 : f32 to vector<16xf32>
    %sub3A_149 = arith.subf %mul3A_146, %sub3A_148 : vector<16xf32>
    %neg3A_150 = arith.constant 0.000000e+00 : f32
    %neg3A_151 = vector.broadcast %neg3A_150 : f32 to vector<16xf32>
    %neg3A_152 = arith.subf %neg3A_151, %sub3A_149 : vector<16xf32>
    %exp3A_153 = math.exp %neg3A_152 : vector<16xf32>
    %mul3A_154 = arith.mulf %add3A_143, %exp3A_153 : vector<16xf32>
    %add3A_155 = arith.addf %sub3A_149, %mul3A_154 : vector<16xf32>
    %sub3A_156 = arith.constant 1.000000e+00 : f32
    %sub3A_157 = vector.broadcast %sub3A_156 : f32 to vector<16xf32>
    %sub3A_158 = arith.subf %add3A_155, %sub3A_157 : vector<16xf32>
    %neg3A_159 = arith.constant 0.000000e+00 : f32
    %neg3A_160 = vector.broadcast %neg3A_159 : f32 to vector<16xf32>
    %neg3A_161 = arith.subf %neg3A_160, %sub3A_158 : vector<16xf32>
    %exp3A_162 = math.exp %neg3A_161 : vector<16xf32>
    %mul3A_163 = arith.mulf %add3A_143, %exp3A_162 : vector<16xf32>
    %add3A_164 = arith.addf %sub3A_158, %mul3A_163 : vector<16xf32>
    %sub3A_165 = arith.constant 1.000000e+00 : f32
    %sub3A_166 = vector.broadcast %sub3A_165 : f32 to vector<16xf32>
    %sub3A_167 = arith.subf %add3A_164, %sub3A_166 : vector<16xf32>
    %neg3A_168 = arith.constant 0.000000e+00 : f32
    %neg3A_169 = vector.broadcast %neg3A_168 : f32 to vector<16xf32>
    %neg3A_170 = arith.subf %neg3A_169, %sub3A_167 : vector<16xf32>
    tpu.vector_store_idx %arg7[%mul3A_139], %neg3A_170 : memref<128xf32, #tpu.memory_space<vmem>>[vector<16xi32>], vector<16xf32>,
    %add3A_171 = arith.constant 1 : i32
    %add3A_172 = vector.broadcast %add3A_171 : i32 to vector<16xi32>
    %add3A_173 = arith.addi %mul3A_139, %add3A_172 : vector<16xi32>
    %neg3A_174 = arith.constant 0.000000e+00 : f32
    %neg3A_175 = vector.broadcast %neg3A_174 : f32 to vector<16xf32>
    %neg3A_176 = arith.subf %neg3A_175, %sub3A_133 : vector<16xf32>
    %exp3A_177 = math.exp %neg3A_176 : vector<16xf32>
    %add3A_178 = arith.constant 1.000000e+00 : f32
    %add3A_179 = vector.broadcast %add3A_178 : f32 to vector<16xf32>
    %add3A_180 = arith.addf %add3A_179, %exp3A_177 : vector<16xf32>
    %mul3A_181 = arith.constant 4.254600e-01 : f32
    %mul3A_182 = vector.broadcast %mul3A_181 : f32 to vector<16xf32>
    %mul3A_183 = arith.mulf %mul3A_182, %add3A_180 : vector<16xf32>
    %sub3A_184 = arith.constant 2.071700e-01 : f32
    %sub3A_185 = vector.broadcast %sub3A_184 : f32 to vector<16xf32>
    %sub3A_186 = arith.subf %mul3A_183, %sub3A_185 : vector<16xf32>
    %neg3A_187 = arith.constant 0.000000e+00 : f32
    %neg3A_188 = vector.broadcast %neg3A_187 : f32 to vector<16xf32>
    %neg3A_189 = arith.subf %neg3A_188, %sub3A_186 : vector<16xf32>
    %exp3A_190 = math.exp %neg3A_189 : vector<16xf32>
    %mul3A_191 = arith.mulf %add3A_180, %exp3A_190 : vector<16xf32>
    %add3A_192 = arith.addf %sub3A_186, %mul3A_191 : vector<16xf32>
    %sub3A_193 = arith.constant 1.000000e+00 : f32
    %sub3A_194 = vector.broadcast %sub3A_193 : f32 to vector<16xf32>
    %sub3A_195 = arith.subf %add3A_192, %sub3A_194 : vector<16xf32>
    %neg3A_196 = arith.constant 0.000000e+00 : f32
    %neg3A_197 = vector.broadcast %neg3A_196 : f32 to vector<16xf32>
    %neg3A_198 = arith.subf %neg3A_197, %sub3A_195 : vector<16xf32>
    %exp3A_199 = math.exp %neg3A_198 : vector<16xf32>
    %mul3A_200 = arith.mulf %add3A_180, %exp3A_199 : vector<16xf32>
    %add3A_201 = arith.addf %sub3A_195, %mul3A_200 : vector<16xf32>
    %sub3A_202 = arith.constant 1.000000e+00 : f32
    %sub3A_203 = vector.broadcast %sub3A_202 : f32 to vector<16xf32>
    %sub3A_204 = arith.subf %add3A_201, %sub3A_203 : vector<16xf32>
    %neg3A_205 = arith.constant 0.000000e+00 : f32
    %neg3A_206 = vector.broadcast %neg3A_205 : f32 to vector<16xf32>
    %neg3A_207 = arith.subf %neg3A_206, %sub3A_204 : vector<16xf32>
    tpu.vector_store_idx %arg7[%add3A_173], %neg3A_207 : memref<128xf32, #tpu.memory_space<vmem>>[vector<16xi32>], vector<16xf32>,
    %add3A_208 = arith.addf %scan3A_13#4, %get3A_15 : vector<16xf32>
    %add3A_209 = arith.addf %scan3A_13#5, %get3A_17 : vector<16xf32>
    %neg3A_210 = arith.constant 0.000000e+00 : f32
    %neg3A_211 = vector.broadcast %neg3A_210 : f32 to vector<16xf32>
    %neg3A_212 = arith.subf %neg3A_211, %add3A_208 : vector<16xf32>
    %exp3A_213 = math.exp %neg3A_212 : vector<16xf32>
    %add3A_214 = arith.constant 1.000000e+00 : f32
    %add3A_215 = vector.broadcast %add3A_214 : f32 to vector<16xf32>
    %add3A_216 = arith.addf %add3A_215, %exp3A_213 : vector<16xf32>
    %div3A_217 = arith.constant 1.000000e+00 : f32
    %div3A_218 = vector.broadcast %div3A_217 : f32 to vector<16xf32>
    %div3A_219 = arith.divf %div3A_218, %add3A_216 : vector<16xf32>
    %neg3A_220 = arith.constant 0.000000e+00 : f32
    %neg3A_221 = vector.broadcast %neg3A_220 : f32 to vector<16xf32>
    %neg3A_222 = arith.subf %neg3A_221, %add3A_209 : vector<16xf32>
    %exp3A_223 = math.exp %neg3A_222 : vector<16xf32>
    %add3A_224 = arith.constant 1.000000e+00 : f32
    %add3A_225 = vector.broadcast %add3A_224 : f32 to vector<16xf32>
    %add3A_226 = arith.addf %add3A_225, %exp3A_223 : vector<16xf32>
    %div3A_227 = arith.constant 1.000000e+00 : f32
    %div3A_228 = vector.broadcast %div3A_227 : f32 to vector<16xf32>
    %div3A_229 = arith.divf %div3A_228, %add3A_226 : vector<16xf32>
    %sub3A_230 = arith.subf %div3A_229, %div3A_219 : vector<16xf32>
    %add3A_231 = arith.constant 32 : i32
    %add3A_232 = vector.broadcast %add3A_231 : i32 to vector<16xi32>
    %add3A_233 = arith.addi %add3A_232, %iota3A : vector<16xi32>
    %mul3A_234 = arith.constant 2 : i32
    %mul3A_235 = vector.broadcast %mul3A_234 : i32 to vector<16xi32>
    %mul3A_236 = arith.muli %add3A_233, %mul3A_235 : vector<16xi32>
    %exp3A_237 = math.exp %sub3A_230 : vector<16xf32>
    %add3A_238 = arith.constant 1.000000e+00 : f32
    %add3A_239 = vector.broadcast %add3A_238 : f32 to vector<16xf32>
    %add3A_240 = arith.addf %add3A_239, %exp3A_237 : vector<16xf32>
    %mul3A_241 = arith.constant 4.254600e-01 : f32
    %mul3A_242 = vector.broadcast %mul3A_241 : f32 to vector<16xf32>
    %mul3A_243 = arith.mulf %mul3A_242, %add3A_240 : vector<16xf32>
    %sub3A_244 = arith.constant 2.071700e-01 : f32
    %sub3A_245 = vector.broadcast %sub3A_244 : f32 to vector<16xf32>
    %sub3A_246 = arith.subf %mul3A_243, %sub3A_245 : vector<16xf32>
    %neg3A_247 = arith.constant 0.000000e+00 : f32
    %neg3A_248 = vector.broadcast %neg3A_247 : f32 to vector<16xf32>
    %neg3A_249 = arith.subf %neg3A_248, %sub3A_246 : vector<16xf32>
    %exp3A_250 = math.exp %neg3A_249 : vector<16xf32>
    %mul3A_251 = arith.mulf %add3A_240, %exp3A_250 : vector<16xf32>
    %add3A_252 = arith.addf %sub3A_246, %mul3A_251 : vector<16xf32>
    %sub3A_253 = arith.constant 1.000000e+00 : f32
    %sub3A_254 = vector.broadcast %sub3A_253 : f32 to vector<16xf32>
    %sub3A_255 = arith.subf %add3A_252, %sub3A_254 : vector<16xf32>
    %neg3A_256 = arith.constant 0.000000e+00 : f32
    %neg3A_257 = vector.broadcast %neg3A_256 : f32 to vector<16xf32>
    %neg3A_258 = arith.subf %neg3A_257, %sub3A_255 : vector<16xf32>
    %exp3A_259 = math.exp %neg3A_258 : vector<16xf32>
    %mul3A_260 = arith.mulf %add3A_240, %exp3A_259 : vector<16xf32>
    %add3A_261 = arith.addf %sub3A_255, %mul3A_260 : vector<16xf32>
    %sub3A_262 = arith.constant 1.000000e+00 : f32
    %sub3A_263 = vector.broadcast %sub3A_262 : f32 to vector<16xf32>
    %sub3A_264 = arith.subf %add3A_261, %sub3A_263 : vector<16xf32>
    %neg3A_265 = arith.constant 0.000000e+00 : f32
    %neg3A_266 = vector.broadcast %neg3A_265 : f32 to vector<16xf32>
    %neg3A_267 = arith.subf %neg3A_266, %sub3A_264 : vector<16xf32>
    tpu.vector_store_idx %arg7[%mul3A_236], %neg3A_267 : memref<128xf32, #tpu.memory_space<vmem>>[vector<16xi32>], vector<16xf32>,
    %add3A_268 = arith.constant 1 : i32
    %add3A_269 = vector.broadcast %add3A_268 : i32 to vector<16xi32>
    %add3A_270 = arith.addi %mul3A_236, %add3A_269 : vector<16xi32>
    %neg3A_271 = arith.constant 0.000000e+00 : f32
    %neg3A_272 = vector.broadcast %neg3A_271 : f32 to vector<16xf32>
    %neg3A_273 = arith.subf %neg3A_272, %sub3A_230 : vector<16xf32>
    %exp3A_274 = math.exp %neg3A_273 : vector<16xf32>
    %add3A_275 = arith.constant 1.000000e+00 : f32
    %add3A_276 = vector.broadcast %add3A_275 : f32 to vector<16xf32>
    %add3A_277 = arith.addf %add3A_276, %exp3A_274 : vector<16xf32>
    %mul3A_278 = arith.constant 4.254600e-01 : f32
    %mul3A_279 = vector.broadcast %mul3A_278 : f32 to vector<16xf32>
    %mul3A_280 = arith.mulf %mul3A_279, %add3A_277 : vector<16xf32>
    %sub3A_281 = arith.constant 2.071700e-01 : f32
    %sub3A_282 = vector.broadcast %sub3A_281 : f32 to vector<16xf32>
    %sub3A_283 = arith.subf %mul3A_280, %sub3A_282 : vector<16xf32>
    %neg3A_284 = arith.constant 0.000000e+00 : f32
    %neg3A_285 = vector.broadcast %neg3A_284 : f32 to vector<16xf32>
    %neg3A_286 = arith.subf %neg3A_285, %sub3A_283 : vector<16xf32>
    %exp3A_287 = math.exp %neg3A_286 : vector<16xf32>
    %mul3A_288 = arith.mulf %add3A_277, %exp3A_287 : vector<16xf32>
    %add3A_289 = arith.addf %sub3A_283, %mul3A_288 : vector<16xf32>
    %sub3A_290 = arith.constant 1.000000e+00 : f32
    %sub3A_291 = vector.broadcast %sub3A_290 : f32 to vector<16xf32>
    %sub3A_292 = arith.subf %add3A_289, %sub3A_291 : vector<16xf32>
    %neg3A_293 = arith.constant 0.000000e+00 : f32
    %neg3A_294 = vector.broadcast %neg3A_293 : f32 to vector<16xf32>
    %neg3A_295 = arith.subf %neg3A_294, %sub3A_292 : vector<16xf32>
    %exp3A_296 = math.exp %neg3A_295 : vector<16xf32>
    %mul3A_297 = arith.mulf %add3A_277, %exp3A_296 : vector<16xf32>
    %add3A_298 = arith.addf %sub3A_292, %mul3A_297 : vector<16xf32>
    %sub3A_299 = arith.constant 1.000000e+00 : f32
    %sub3A_300 = vector.broadcast %sub3A_299 : f32 to vector<16xf32>
    %sub3A_301 = arith.subf %add3A_298, %sub3A_300 : vector<16xf32>
    %neg3A_302 = arith.constant 0.000000e+00 : f32
    %neg3A_303 = vector.broadcast %neg3A_302 : f32 to vector<16xf32>
    %neg3A_304 = arith.subf %neg3A_303, %sub3A_301 : vector<16xf32>
    tpu.vector_store_idx %arg7[%add3A_270], %neg3A_304 : memref<128xf32, #tpu.memory_space<vmem>>[vector<16xi32>], vector<16xf32>,
    %add3A_305 = arith.addf %scan3A_13#6, %get3A_15 : vector<16xf32>
    %add3A_306 = arith.addf %scan3A_13#7, %get3A_17 : vector<16xf32>
    %neg3A_307 = arith.constant 0.000000e+00 : f32
    %neg3A_308 = vector.broadcast %neg3A_307 : f32 to vector<16xf32>
    %neg3A_309 = arith.subf %neg3A_308, %add3A_305 : vector<16xf32>
    %exp3A_310 = math.exp %neg3A_309 : vector<16xf32>
    %add3A_311 = arith.constant 1.000000e+00 : f32
    %add3A_312 = vector.broadcast %add3A_311 : f32 to vector<16xf32>
    %add3A_313 = arith.addf %add3A_312, %exp3A_310 : vector<16xf32>
    %div3A_314 = arith.constant 1.000000e+00 : f32
    %div3A_315 = vector.broadcast %div3A_314 : f32 to vector<16xf32>
    %div3A_316 = arith.divf %div3A_315, %add3A_313 : vector<16xf32>
    %neg3A_317 = arith.constant 0.000000e+00 : f32
    %neg3A_318 = vector.broadcast %neg3A_317 : f32 to vector<16xf32>
    %neg3A_319 = arith.subf %neg3A_318, %add3A_306 : vector<16xf32>
    %exp3A_320 = math.exp %neg3A_319 : vector<16xf32>
    %add3A_321 = arith.constant 1.000000e+00 : f32
    %add3A_322 = vector.broadcast %add3A_321 : f32 to vector<16xf32>
    %add3A_323 = arith.addf %add3A_322, %exp3A_320 : vector<16xf32>
    %div3A_324 = arith.constant 1.000000e+00 : f32
    %div3A_325 = vector.broadcast %div3A_324 : f32 to vector<16xf32>
    %div3A_326 = arith.divf %div3A_325, %add3A_323 : vector<16xf32>
    %sub3A_327 = arith.subf %div3A_326, %div3A_316 : vector<16xf32>
    %add3A_328 = arith.constant 48 : i32
    %add3A_329 = vector.broadcast %add3A_328 : i32 to vector<16xi32>
    %add3A_330 = arith.addi %add3A_329, %iota3A : vector<16xi32>
    %mul3A_331 = arith.constant 2 : i32
    %mul3A_332 = vector.broadcast %mul3A_331 : i32 to vector<16xi32>
    %mul3A_333 = arith.muli %add3A_330, %mul3A_332 : vector<16xi32>
    %exp3A_334 = math.exp %sub3A_327 : vector<16xf32>
    %add3A_335 = arith.constant 1.000000e+00 : f32
    %add3A_336 = vector.broadcast %add3A_335 : f32 to vector<16xf32>
    %add3A_337 = arith.addf %add3A_336, %exp3A_334 : vector<16xf32>
    %mul3A_338 = arith.constant 4.254600e-01 : f32
    %mul3A_339 = vector.broadcast %mul3A_338 : f32 to vector<16xf32>
    %mul3A_340 = arith.mulf %mul3A_339, %add3A_337 : vector<16xf32>
    %sub3A_341 = arith.constant 2.071700e-01 : f32
    %sub3A_342 = vector.broadcast %sub3A_341 : f32 to vector<16xf32>
    %sub3A_343 = arith.subf %mul3A_340, %sub3A_342 : vector<16xf32>
    %neg3A_344 = arith.constant 0.000000e+00 : f32
    %neg3A_345 = vector.broadcast %neg3A_344 : f32 to vector<16xf32>
    %neg3A_346 = arith.subf %neg3A_345, %sub3A_343 : vector<16xf32>
    %exp3A_347 = math.exp %neg3A_346 : vector<16xf32>
    %mul3A_348 = arith.mulf %add3A_337, %exp3A_347 : vector<16xf32>
    %add3A_349 = arith.addf %sub3A_343, %mul3A_348 : vector<16xf32>
    %sub3A_350 = arith.constant 1.000000e+00 : f32
    %sub3A_351 = vector.broadcast %sub3A_350 : f32 to vector<16xf32>
    %sub3A_352 = arith.subf %add3A_349, %sub3A_351 : vector<16xf32>
    %neg3A_353 = arith.constant 0.000000e+00 : f32
    %neg3A_354 = vector.broadcast %neg3A_353 : f32 to vector<16xf32>
    %neg3A_355 = arith.subf %neg3A_354, %sub3A_352 : vector<16xf32>
    %exp3A_356 = math.exp %neg3A_355 : vector<16xf32>
    %mul3A_357 = arith.mulf %add3A_337, %exp3A_356 : vector<16xf32>
    %add3A_358 = arith.addf %sub3A_352, %mul3A_357 : vector<16xf32>
    %sub3A_359 = arith.constant 1.000000e+00 : f32
    %sub3A_360 = vector.broadcast %sub3A_359 : f32 to vector<16xf32>
    %sub3A_361 = arith.subf %add3A_358, %sub3A_360 : vector<16xf32>
    %neg3A_362 = arith.constant 0.000000e+00 : f32
    %neg3A_363 = vector.broadcast %neg3A_362 : f32 to vector<16xf32>
    %neg3A_364 = arith.subf %neg3A_363, %sub3A_361 : vector<16xf32>
    tpu.vector_store_idx %arg7[%mul3A_333], %neg3A_364 : memref<128xf32, #tpu.memory_space<vmem>>[vector<16xi32>], vector<16xf32>,
    %add3A_365 = arith.constant 1 : i32
    %add3A_366 = vector.broadcast %add3A_365 : i32 to vector<16xi32>
    %add3A_367 = arith.addi %mul3A_333, %add3A_366 : vector<16xi32>
    %neg3A_368 = arith.constant 0.000000e+00 : f32
    %neg3A_369 = vector.broadcast %neg3A_368 : f32 to vector<16xf32>
    %neg3A_370 = arith.subf %neg3A_369, %sub3A_327 : vector<16xf32>
    %exp3A_371 = math.exp %neg3A_370 : vector<16xf32>
    %add3A_372 = arith.constant 1.000000e+00 : f32
    %add3A_373 = vector.broadcast %add3A_372 : f32 to vector<16xf32>
    %add3A_374 = arith.addf %add3A_373, %exp3A_371 : vector<16xf32>
    %mul3A_375 = arith.constant 4.254600e-01 : f32
    %mul3A_376 = vector.broadcast %mul3A_375 : f32 to vector<16xf32>
    %mul3A_377 = arith.mulf %mul3A_376, %add3A_374 : vector<16xf32>
    %sub3A_378 = arith.constant 2.071700e-01 : f32
    %sub3A_379 = vector.broadcast %sub3A_378 : f32 to vector<16xf32>
    %sub3A_380 = arith.subf %mul3A_377, %sub3A_379 : vector<16xf32>
    %neg3A_381 = arith.constant 0.000000e+00 : f32
    %neg3A_382 = vector.broadcast %neg3A_381 : f32 to vector<16xf32>
    %neg3A_383 = arith.subf %neg3A_382, %sub3A_380 : vector<16xf32>
    %exp3A_384 = math.exp %neg3A_383 : vector<16xf32>
    %mul3A_385 = arith.mulf %add3A_374, %exp3A_384 : vector<16xf32>
    %add3A_386 = arith.addf %sub3A_380, %mul3A_385 : vector<16xf32>
    %sub3A_387 = arith.constant 1.000000e+00 : f32
    %sub3A_388 = vector.broadcast %sub3A_387 : f32 to vector<16xf32>
    %sub3A_389 = arith.subf %add3A_386, %sub3A_388 : vector<16xf32>
    %neg3A_390 = arith.constant 0.000000e+00 : f32
    %neg3A_391 = vector.broadcast %neg3A_390 : f32 to vector<16xf32>
    %neg3A_392 = arith.subf %neg3A_391, %sub3A_389 : vector<16xf32>
    %exp3A_393 = math.exp %neg3A_392 : vector<16xf32>
    %mul3A_394 = arith.mulf %add3A_374, %exp3A_393 : vector<16xf32>
    %add3A_395 = arith.addf %sub3A_389, %mul3A_394 : vector<16xf32>
    %sub3A_396 = arith.constant 1.000000e+00 : f32
    %sub3A_397 = vector.broadcast %sub3A_396 : f32 to vector<16xf32>
    %sub3A_398 = arith.subf %add3A_395, %sub3A_397 : vector<16xf32>
    %neg3A_399 = arith.constant 0.000000e+00 : f32
    %neg3A_400 = vector.broadcast %neg3A_399 : f32 to vector<16xf32>
    %neg3A_401 = arith.subf %neg3A_400, %sub3A_398 : vector<16xf32>
    tpu.vector_store_idx %arg7[%add3A_367], %neg3A_401 : memref<128xf32, #tpu.memory_space<vmem>>[vector<16xi32>], vector<16xf32>,
    %mul3A_402 = arith.constant 2 : i32
    %mul3A_403 = arith.muli %mul3A_2, %mul3A_402 : i32
    "tpu.region"() ({
      %run_scoped3A = tpu.sem_alloc : memref<!tpu.dma_semaphore, #tpu.memory_space<semaphore_mem>>
      %dma_start3A_404 = tpu.memref_slice %arg4[%mul3A_403] : memref<2048xf32, #tpu.memory_space<hbm>> -> memref<128xf32, #tpu.memory_space<hbm>>
      %dma_start3A_405 = tpu.memref_slice %arg4[%mul3A_403] : memref<2048xf32, #tpu.memory_space<hbm>> -> memref<128xf32, #tpu.memory_space<hbm>>
      tpu.enqueue_dma source(%arg7 : memref<128xf32, #tpu.memory_space<vmem>>) target(%dma_start3A_405 : memref<128xf32, #tpu.memory_space<hbm>>) target_semaphore(%run_scoped3A : memref<!tpu.dma_semaphore, #tpu.memory_space<semaphore_mem>>)
      %dma_wait3A_406 = tpu.memref_slice %arg4[%mul3A_403] : memref<2048xf32, #tpu.memory_space<hbm>> -> memref<128xf32, #tpu.memory_space<hbm>>
      %dma_wait3A_407 = tpu.memref_slice %arg4[%mul3A_403] : memref<2048xf32, #tpu.memory_space<hbm>> -> memref<128xf32, #tpu.memory_space<hbm>>
      tpu.wait_dma2 semaphore(%run_scoped3A : memref<!tpu.dma_semaphore, #tpu.memory_space<semaphore_mem>>) src(%arg7 : memref<128xf32, #tpu.memory_space<vmem>>) dst(%dma_wait3A_407 : memref<128xf32, #tpu.memory_space<hbm>>)
      tpu.yield
    }) : () -> ()
    return
  }
}

</mosaic_0001>

<sc_bundles>
// kernel: kernel.3.cloned.1.call-start
scs
__scs_entry_jumppad:
0x0: {  	(pc) =	sbr.rel $0x88, $3  }
0x1: {  	(tag) =	ssettag $0x0;
	lr =	simm.s32 $0x1  }
0x2: {  	[smem:$0x3F9E] =	sst lr;
	_ =	strace $0xD0000000  }
0x3: {  	_ = 	snop  }
0x4: {  	_ = 	snop  }
0x5: {  	_ = 	snop  }
0x6: {  	_ = 	snop  }
0x7: {  	_ = 	snop  }
__scs_overlays_trampoline_lowered:
0x8: {  	[smem:$0x3FAD] =	sst s0  }
0x9: {  	[smem:$0x3FAE] =	sst s1  }
0xa: {  	[smem:$0x3FAF] =	sst s2  }
0xb: {  	[smem:$0x3FB0] =	sst s3  }
0xc: {  	[smem:$0x3FB1] =	sst s4  }
0xd: {  	[smem:$0x3FB2] =	sst s5  }
0xe: {  	[smem:$0x3FB3] =	sst s6  }
0xf: {  	[smem:$0x3FB4] =	sst s7  }
0x10: {  	[smem:$0x3FB5] =	sst s8  }
0x11: {  	[smem:$0x3FB6] =	sst s9;
	s0 =	simm.s32 @!p0 $0x0  }
0x12: {  	s1 =	sld [smem:$0x3F9C];
	s0 =	simm.s32 @p0 $0x1  }
0x13: {  	[smem:$0x3FB7] =	sst s0;
	s0 =	simm.s32 @!p1 $0x0  }
0x14: {  	s2 =	sld [smem:$0x3F9B];
	s0 =	simm.s32 @p1 $0x1  }
0x15: {  	[smem:$0x3FB8] =	sst s0;
	s0 =	simm.s32 @!p2 $0x0  }
0x16: {  	s3 =	sld [smem:$0x3FDB];
	s0 =	simm.s32 @p2 $0x1  }
0x17: {  	s4 =	simm.s32 $0x1BF5;
	[smem:$0x3FBA] =	sst s0  }
0x18: {  	s0 =	sld [smem:$0x3F9D];
	_ =	swait.ge [sflag:s4], $0x0  }
0x19: {  	s7 =	sld [smem:$0x3F9E]  }
0x1a: {  	s8 =	sadd.s32 $0xFFFFE003, lr  }
0x1b: {  	s9 =	sadd.s32 $0xFFFFFEF7, lr;
	s5 =	simm.s32 $0xFFFFFFFF;
	p2 =	slt.u32 s8, $0xFFFFF086  }
0x1c: {  	p1 =	slt.u32 s9, $0xF7A;
	s5 =	simm.s32 @!p2 $0x0  }
0x1d: {  	s5 =	simm.s32 @p1 $0x1;
	p0 =	seq.s32 s7, s2  }
0x1e: {  	s7 =	smul.u32 @!p0 $0xF7A, s2;
	p2 =	seq.s32 @!p0 s5, $0x0  }
0x1f: {  	s9 =	smul.u32 $0xF7A, s1;
	s8 =	simm.s32 @!p0 $0x1BF5;
	p2 =	por !p2, p0  }
0x20: {  	[sflag:s8] =	ssyncset.s32 @!p0 $0xFFFFF086;
	s6 =	sadd.s32 @!p0 s3, s7;
	s7 =	simm.s32 @!p0 $0x108  }
0x21: {  	s3 =	sadd.s32 s3, s9;
	s6 =	sadd.s32 @!p0 $0x88, s6;
	s7 =	simm.s32 @p2 $0x1082  }
0x22: {  	[simem:s7], [sflag:s8] =	dma.local @!p0 [hbm:s6], $0xF7A  }
0x23: {  	s9 =	sor.u32 $0xD0000000, s2;
	s6 =	simm.s32 $0x108;
	_ =	swait.ge @!p0 [sflag:s8], $0x0  }
0x24: {  	s3 =	sadd.s32 $0x88, s3;
	s6 =	simm.s32 @!p1 $0x1082;
	[sflag:s4] =	ssyncset.s32 $0xFFFFF086  }
0x25: {  	[simem:s6], [sflag:s4] =	dma.local [hbm:s3], $0xF7A  }
0x26: {  	[smem:$0x3F9E] =	sst s1;
	(tag) =	ssettag s2;
	_ =	strace s9  }
0x27: {  	s1 =	sld [smem:$0x3FAE]  }
0x28: {  	s2 =	sld [smem:$0x3FAF]  }
0x29: {  	s4 =	sld [smem:$0x3FB1]  }
0x2a: {  	p0 =	seq.s32 s5, $0x0;
	s5 =	sld [smem:$0x3FB2]  }
0x2b: {  	s6 =	sld [smem:$0x3FB3]  }
0x2c: {  	s7 =	sld [smem:$0x3FB4]  }
0x2d: {  	s3 =	simm.s32 $0x108;
	s8 =	sld [smem:$0x3FB5]  }
0x2e: {  	s3 =	simm.s32 @!p0 $0x1082;
	s9 =	sld [smem:$0x3FB6]  }
0x2f: {  	lr =	sadd.s32 s0, s3;
	s0 =	sld [smem:$0x3FAD]  }
0x30: {  	s3 =	sld [smem:$0x3FB0]  }
0x31: {  	[smem:$0x3FB9] =	sst s10  }
0x32: {  	s10 =	sld [smem:$0x3FB7];
	_ =	sdelay $0x3  }
0x33: {  	p0 =	seq.s32 s10, $0x1;
	s10 =	sld [smem:$0x3FB9];
	_ =	sdelay $0x3  }
0x34: {  	[smem:$0x3FB9] =	sst s10  }
0x35: {  	s10 =	sld [smem:$0x3FB8];
	_ =	sdelay $0x3  }
0x36: {  	p1 =	seq.s32 s10, $0x1;
	s10 =	sld [smem:$0x3FB9];
	_ =	sdelay $0x3  }
0x37: {  	[smem:$0x3FB9] =	sst s10  }
0x38: {  	s10 =	sld [smem:$0x3FBA]  }
0x39: {  	_ = 	snop;
	(pc) =	sbr.ind lr, $3  }
0x3a: {  	_ = 	snop  }
0x3b: {  	_ = 	snop  }
0x3c: {  	p2 =	seq.s32 s10, $0x1;
	s10 =	sld [smem:$0x3FB9]  }
0x3d: {  	_ =	shalt  }
0x3e: {  	_ =	shalt  }
0x3f: {  	_ =	shalt  }
0x40: {  	_ =	shalt  }
0x41: {  	_ =	shalt  }
0x42: {  	_ =	shalt  }
0x43: {  	_ =	shalt  }
0x44: {  	_ =	shalt  }
0x45: {  	_ =	shalt  }
0x46: {  	_ =	shalt  }
0x47: {  	_ =	shalt  }
0x48: {  	_ =	shalt  }
0x49: {  	_ =	shalt  }
0x4a: {  	_ =	shalt  }
0x4b: {  	_ =	shalt  }
0x4c: {  	_ =	shalt  }
0x4d: {  	_ =	shalt  }
0x4e: {  	_ =	shalt  }
0x4f: {  	_ =	shalt  }
0x50: {  	_ =	shalt  }
0x51: {  	_ =	shalt  }
0x52: {  	_ =	shalt  }
0x53: {  	_ =	shalt  }
0x54: {  	_ =	shalt  }
0x55: {  	_ =	shalt  }
0x56: {  	_ =	shalt  }
0x57: {  	_ =	shalt  }
0x58: {  	_ =	shalt  }
0x59: {  	_ =	shalt  }
0x5a: {  	_ =	shalt  }
0x5b: {  	_ =	shalt  }
0x5c: {  	_ =	shalt  }
0x5d: {  	_ =	shalt  }
0x5e: {  	_ =	shalt  }
0x5f: {  	_ =	shalt  }
0x60: {  	_ =	shalt  }
0x61: {  	_ =	shalt  }
0x62: {  	_ =	shalt  }
0x63: {  	_ =	shalt  }
0x64: {  	_ =	shalt  }
0x65: {  	_ =	shalt  }
0x66: {  	_ =	shalt  }
0x67: {  	_ =	shalt  }
0x68: {  	_ =	shalt  }
0x69: {  	_ =	shalt  }
0x6a: {  	_ =	shalt  }
0x6b: {  	_ =	shalt  }
0x6c: {  	_ =	shalt  }
0x6d: {  	_ =	shalt  }
0x6e: {  	_ =	shalt  }
0x6f: {  	_ =	shalt  }
0x70: {  	_ =	shalt  }
0x71: {  	_ =	shalt  }
0x72: {  	_ =	shalt  }
0x73: {  	_ =	shalt  }
0x74: {  	_ =	shalt  }
0x75: {  	_ =	shalt  }
0x76: {  	_ =	shalt  }
0x77: {  	_ =	shalt  }
0x78: {  	_ =	shalt  }
0x79: {  	_ =	shalt  }
0x7a: {  	_ =	shalt  }
0x7b: {  	_ =	shalt  }
0x7c: {  	_ =	shalt  }
0x7d: {  	_ =	shalt  }
0x7e: {  	_ =	shalt  }
0x7f: {  	_ =	shalt  }
0x80: {  	_ =	shalt  }
0x81: {  	_ =	shalt  }
0x82: {  	_ =	shalt  }
0x83: {  	_ =	shalt  }
0x84: {  	_ =	shalt  }
0x85: {  	_ =	shalt  }
0x86: {  	_ =	shalt  }
0x87: {  	_ =	shalt  }
.Lfunc_end0:
.L_simem_size_0:
called_computation_lowered:
.L_overlay_start_0:
0x88: {  	s0 =	sld [smem:$0x3FD9]  }
0x89: {  	s1 =	sld [smem:$0x3FFE];
	_ =	sdelay $0x3  }
0x8a: {  	s0 =	sadd.s32 s1, s0  }
0x8b: {  	[smem:$0x3FC5] =	sst s0  }
0x8c: {  	_ = 	snop  }
0x8d: {  	s0 =	sld [smem:$0x3FD0];
	(tm) =	ssettm $0x1  }
0x8e: {  	s16 =	sld [smem:$0x3FFB];
	_ =	sdelay $0x3  }
0x8f: {  	_ =	strace s16  }
0x90: {  	s1 =	sld [smem:$0x3FFC];
	_ =	sdelay $0x3  }
0x91: {  	_ =	strace s1  }
0x92: {  	s1 =	sld [smem:$0x3FFD];
	_ =	sdelay $0x3  }
0x93: {  	_ =	strace s1  }
0x94: {  	_ =	strace $0x8FFFFFFF  }
0x95: {  	s17 =	sld [smem:$0x3FDB];
	_ =	sdelay $0x1  }
0x96: {  	s2 =	simm.s32 $_scs_section_size  }
0x97: {  	s3 =	simm.s32 $_size__tile_overlayer_lowered;
	s4 =	simm.s32 $_tile_overlayer_lowered  }
0x98: {  	s20 =	simm.s32 $0x1BFF;
	s19 =	sshll.u32 s4, $0x1;
	s1 =	sadd.s32 s2, s17  }
0x99: {  	s5 =	simm.s32 $0x0;
	s18 =	sshll.u32 s3, $0x1;
	s3 =	sadd.s32 s19, s1  }
0x9a: {  	[timem:s5], [sflag:s20] =	dma.local [hbm:s3], s18  }
0x9b: {  	_ =	swait.ge [sflag:s20], s18  }
0x9c: {  	s2 =	ssub.s32 $0x0, s18;
	[sflag:s20] =	ssyncset.done $0x0  }
0x9d: {  	[sflag:s20] =	ssyncadd.s32 s2;
	_ =	sdelay $0x1  }
0x9e: {  	s21 =	simm.s32 $0x1B8B  }
0x9f: {  	_ =	swait.ge [sflag:s21], $0x1  }
0xa0: {  	[sflag:s21] =	ssyncset.done $0x0  }
0xa1: {  	s23 =	simm.s32 $0x1B8E;
	s22 =	sld [smem:$0x3FFE];
	[sflag:s21] =	ssyncadd.s32 $0xFFFFFFFF  }
0xa2: {  	s24 =	simm.s32 $execute0_lowered;
	[smem:$0x3FD2] =	sst s23  }
0xa3: {  	s3 =	sshll.u32 s24, $0x1;
	_ =	strace $0x80000046;
	[dreg:$0x1] =	wrdreg $0xFFFFFFFF  }
0xa4: {  	s25 =	simm.s32 $_size_execute0_lowered;
	s1 =	sadd.s32 s1, s3;
	[dreg:$0x0] =	wrdreg $0x0  }
0xa5: {  	s3 =	sshll.u32 s25, $0x1;
	[dreg:$0x2] =	wrdreg s1  }
0xa6: {  	[dreg:$0x3] =	wrdreg s3  }
0xa7: {  	[dreg:$0x4] =	wrdreg $0xC0  }
0xa8: {  	_ =	task [dreg:s5], $0x5FFFF  }
0xa9: {  	[dreg:$0x1] =	wrdreg $0xFFFFFFFF  }
0xaa: {  	[dreg:$0x0] =	wrdreg $0x60  }
0xab: {  	[dreg:$0x2] =	wrdreg s22  }
0xac: {  	[dreg:$0x3] =	wrdreg s0  }
0xad: {  	[dreg:$0x4] =	wrdreg $0x9  }
0xae: {  	_ =	task.clear_ibuf [dreg:s5], $0x5FFFF;
	_ =	strace $0x90000046  }
0xaf: {  	s26 =	simm.s32 $0x9;
	_ =	strace $0x80000048  }
0xb0: {  	_ =	swait.ge [sflag:s26], $0x1  }
0xb1: {  	[sflag:s26] =	ssyncadd.s32 $0xFFFFFFFF  }
0xb2: {  	_ =	strace $0x90000048  }
0xb3: {  	_ =	sfence  }
0xb4: {  	s28 =	sld [smem:$0x0];
	_ =	sdelay $0x1  }
0xb5: {  	s29 =	srdreg.scid  }
0xb6: {  	s30 =	sshll.u32 s29, $0xD;
	s31 =	sshrl.u32 s29, $0x2  }
0xb7: {  	s2 =	sand.u32 $0x4000, s30;
	s1 =	sand.u32 $0x1, s29;
	s0 =	sadd.s32 s31, s28  }
0xb8: {  	s1 =	sor.u32 s2, s1;
	s0 =	sshll.u32 s0, $0x11  }
0xb9: {  	s0 =	sor.u32 s0, s1  }
0xba: {  	s0 =	sadd.s32 $0x8F2B, s0  }
0xbb: {  	[sflag:s0] =	ssyncadd.remote.s32 $0x1  }
0xbc: {  	_ =	sfence.sel $0xFFFF  }
0xbd: {  	[dreg:$0x0] =	wrdreg $0xFFFFFFFF;
	(pc) =	sbr.abs _section_cstart, $3  }
0xbe: {  	[dreg:$0x1] =	wrdreg $0xFFFFFFFF  }
0xbf: {  	_ =	task.clear_ibuf [dreg:s5], $0x2FFFF;
	_ =	strace $0x9FFFFFFF  }
0xc0: {  	(tm) =	ssettm $0x7FFFFFFF  }
0xc1: {  	_ =	shalt  }
tec
execute0_lowered:
.L_overlay_start_1:
0x0: {  	(tag) =	ssettag $0x1  }
0x1: {  	s2 =	rddreg [dreg:$0x0]  }
0x2: {  	s4 =	rddreg [dreg:$0x1];
	s1 =	stileid.u32  }
0x3: {  	s0 =	rddreg [dreg:$0x2];
	s5 =	simm.s32 $0x0;
	s3 =	sshll.u32 s1, $0x3  }
0x4: {  	s6 =	simm.s32 $0x40;
	[smem:$0x7FF] =	sst s5;
	s3 =	sadd.s32 s3, s2  }
0x5: {  	s7 =	simm.s32 $0x400;
	_ =	strace $0x80000047;
	s3 =	sadd.s32 $0x600, s3  }
0x6: {  	[tilespmem:s5], [sflag:$0x1] =	stream.strided.gather [hbm4b:s3+s6], $0xC80, s7, s6, $0x38;
	[tilespmem:$0x1500] =	vst v63  }
0x7: {  	s29 =	simm.s32 $0x2;
	s3 =	simm.s32 $0xC80  }
0x8: {  	[tilespmem:s3], [sflag:$0x2] =	stream.linear.gather [hbm4b:s4+s5], $0x800, $0x38;
	[tilespmem:$0x1500] =	vst v63  }
0x9: {  	_ =	swait.ge [sflag:s29], $0x800  }
0xa: {  	[sflag:s29] =	ssyncset.done $0x0  }
0xb: {  	s30 =	simm.s32 $0x1;
	[sflag:s29] =	ssyncadd.s32 $0xFFFFF800  }
0xc: {  	_ =	swait.ge [sflag:s30], $0xC80  }
0xd: {  	[sflag:s30] =	ssyncset.done $0x0  }
0xe: {  	s31 =	simm.s32 $0x0;
	[sflag:s30] =	ssyncadd.s32 $0xFFFFF380  }
0xf: {  	v22 =	vld [tilespmem:s31+$0x100]  }
0x10: {  	v23 =	vld [tilespmem:s31+$0x110]  }
0x11: {  	v7 =	vld [tilespmem:s31+$0x120]  }
0x12: {  	v0 =	vld [tilespmem:s31+$0x130]  }
0x13: {  	v33 =	vld [tilespmem:s31+$0xC0]  }
0x14: {  	v34 =	vld [tilespmem:s31+$0xD0]  }
0x15: {  	v12 =	vld [tilespmem:s31+$0xE0]  }
0x16: {  	v2 =	vld [tilespmem:s31+$0xF0]  }
0x17: {  	v3 =	vld [tilespmem:s31+$0x80]  }
0x18: {  	v6 =	vld [tilespmem:s31+$0x90]  }
0x19: {  	v17 =	vld [tilespmem:s31+$0xA0]  }
0x1a: {  	v5 =	vld [tilespmem:s31+$0xB0]  }
0x1b: {  	v14 =	vld [tilespmem:s31+$0x40]  }
0x1c: {  	v16 =	vld [tilespmem:s31+$0x50]  }
0x1d: {  	v20 =	vld [tilespmem:s31+$0x60]  }
0x1e: {  	v9 =	vld [tilespmem:s31+$0x70]  }
0x1f: {  	v18 =	vld [tilespmem:s31+$0x0]  }
0x20: {  	v25 =	vld [tilespmem:s31+$0x10]  }
0x21: {  	v24 =	vld [tilespmem:s31+$0x20]  }
0x22: {  	v13 =	vld [tilespmem:s31+$0x30]  }
0x23: {  	v28 =	vld.idx.msk [tilespmem:v22+s3+$0x0], $0xffff  }
0x24: {  	v30 =	vld.idx.msk [tilespmem:v23+s3+$0x0], $0xffff  }
0x25: {  	v11 =	vld.idx.msk [tilespmem:v7+s3+$0x0], $0xffff  }
0x26: {  	v1 =	vld.idx.msk [tilespmem:v0+s3+$0x0], $0xffff  }
0x27: {  	v38 =	vld.idx.msk [tilespmem:v33+s3+$0x0], $0xffff  }
0x28: {  	v35 =	vld.idx.msk [tilespmem:v34+s3+$0x0], $0xffff  }
0x29: {  	v15 =	vld.idx.msk [tilespmem:v12+s3+$0x0], $0xffff  }
0x2a: {  	v4 =	vld.idx.msk [tilespmem:v2+s3+$0x0], $0xffff  }
0x2b: {  	v32 =	vld.idx.msk [tilespmem:v3+s3+$0x0], $0xffff  }
0x2c: {  	v36 =	vld.idx.msk [tilespmem:v6+s3+$0x0], $0xffff  }
0x2d: {  	v19 =	vld.idx.msk [tilespmem:v17+s3+$0x0], $0xffff  }
0x2e: {  	v8 =	vld.idx.msk [tilespmem:v5+s3+$0x0], $0xffff  }
0x2f: {  	v43 =	vld.idx.msk [tilespmem:v14+s3+$0x0], $0xffff  }
0x30: {  	v37 =	vld.idx.msk [tilespmem:v16+s3+$0x0], $0xffff  }
0x31: {  	v21 =	vld.idx.msk [tilespmem:v20+s3+$0x0], $0xffff  }
0x32: {  	v47 =	vadd.s32 $0x3E8, v18;
	v10 =	vld.idx.msk [tilespmem:v9+s3+$0x0], $0xffff  }
0x33: {  	v42 =	vadd.s32 $0x3E8, v25;
	v44 =	vld.idx.msk [tilespmem:v18+s3+$0x0], $0xffff  }
0x34: {  	v27 =	vimm.f32 $0.0e+00;
	v31 =	vimm.f32 $0.0e+00;
	v45 =	vadd.s32 $0x3E8, v14;
	v39 =	vld.idx.msk [tilespmem:v25+s3+$0x0], $0xffff  }
0x35: {  	v26 =	vimm.f32 $0.0e+00;
	v41 =	vadd.s32 $0x3E8, v16;
	v46 =	vadd.s32 $0x3E8, v3;
	v29 =	vld.idx.msk [tilespmem:v24+s3+$0x0], $0xffff  }
0x36: {  	v40 =	vadd.s32 $0x3E8, v6;
	v25 =	vimm.f32 $0.0e+00;
	v16 =	vld.idx.msk [tilespmem:v13+s3+$0x0], $0xffff;
	v18 =	vimm.f32 $0.0e+00  }
0x37: {  	s2 =	sadd.s32 $0x2000, s2;
	s4 =	simm.s32 $0x500;
	v14 =	vimm.f32 $0.0e+00;
	v6 =	vimm.f32 $0.0e+00;
	v3 =	vimm.f32 $0.0e+00;
	v47 =	vld.idx.msk [tilespmem:v47+s3+$0x0], $0xffff  }
.LBB2_1:
0x38: {  	p0 =	sne.s32 s4, $0x2D00;
	v42 =	vld.idx.msk [tilespmem:v42+s3+$0x0], $0xffff;
	v33 =	vadd.s32 $0x3E8, v33  }
0x39: {  	v34 =	vadd.s32 $0x3E8, v34;
	v45 =	vld.idx.msk [tilespmem:v45+s3+$0x0], $0xffff  }
0x3a: {  	v22 =	vadd.s32 $0x3E8, v22;
	v41 =	vld.idx.msk [tilespmem:v41+s3+$0x0], $0xffff  }
0x3b: {  	v23 =	vadd.s32 $0x3E8, v23;
	v46 =	vld.idx.msk [tilespmem:v46+s3+$0x0], $0xffff  }
0x3c: {  	v24 =	vadd.s32 $0x3E8, v24;
	v40 =	vld.idx.msk [tilespmem:v40+s3+$0x0], $0xffff  }
0x3d: {  	v27 =	vadd.f32 v44, v27;
	v13 =	vadd.s32 $0x3E8, v13;
	v25 =	vadd.f32 v47, v25;
	v33 =	vld.idx.msk [tilespmem:v33+s3+$0x0], $0xffff  }
0x3e: {  	v20 =	vadd.s32 $0x3E8, v20;
	v31 =	vadd.f32 v39, v31;
	v26 =	vadd.f32 v42, v26;
	v34 =	vld.idx.msk [tilespmem:v34+s3+$0x0], $0xffff  }
0x3f: {  	v9 =	vadd.s32 $0x3E8, v9;
	v27 =	vadd.f32 v43, v27;
	v25 =	vadd.f32 v45, v25;
	v22 =	vld.idx.msk [tilespmem:v22+s3+$0x0], $0xffff  }
0x40: {  	v17 =	vadd.s32 $0x3E8, v17;
	v31 =	vadd.f32 v37, v31;
	v26 =	vadd.f32 v41, v26;
	v23 =	vld.idx.msk [tilespmem:v23+s3+$0x0], $0xffff  }
0x41: {  	v5 =	vadd.s32 $0x3E8, v5;
	v27 =	vadd.f32 v32, v27;
	v25 =	vadd.f32 v46, v25;
	v24 =	vld.idx.msk [tilespmem:v24+s3+$0x0], $0xffff  }
0x42: {  	v12 =	vadd.s32 $0x3E8, v12;
	v31 =	vadd.f32 v36, v31;
	v26 =	vadd.f32 v40, v26;
	v13 =	vld.idx.msk [tilespmem:v13+s3+$0x0], $0xffff  }
0x43: {  	v2 =	vadd.s32 $0x3E8, v2;
	v27 =	vadd.f32 v38, v27;
	v25 =	vadd.f32 v33, v25;
	v20 =	vld.idx.msk [tilespmem:v20+s3+$0x0], $0xffff  }
0x44: {  	v7 =	vadd.s32 $0x3E8, v7;
	v31 =	vadd.f32 v35, v31;
	v26 =	vadd.f32 v34, v26;
	v9 =	vld.idx.msk [tilespmem:v9+s3+$0x0], $0xffff  }
0x45: {  	v0 =	vadd.s32 $0x3E8, v0;
	v27 =	vadd.f32 v28, v27;
	v25 =	vadd.f32 v22, v25;
	v17 =	vld.idx.msk [tilespmem:v17+s3+$0x0], $0xffff  }
0x46: {  	v31 =	vadd.f32 v30, v31;
	v26 =	vadd.f32 v23, v26;
	v5 =	vld.idx.msk [tilespmem:v5+s3+$0x0], $0xffff  }
0x47: {  	v18 =	vadd.f32 v29, v18;
	v14 =	vadd.f32 v24, v14;
	v12 =	vld.idx.msk [tilespmem:v12+s3+$0x0], $0xffff  }
0x48: {  	v6 =	vadd.f32 v16, v6;
	v3 =	vadd.f32 v13, v3;
	v2 =	vld.idx.msk [tilespmem:v2+s3+$0x0], $0xffff  }
0x49: {  	v13 =	vadd.f32 v21, v18;
	v14 =	vadd.f32 v20, v14;
	v16 =	vld.idx.msk [tilespmem:v7+s3+$0x0], $0xffff  }
0x4a: {  	s5 =	sshra.s32 s4, $0x2;
	v6 =	vadd.f32 v10, v6;
	v3 =	vadd.f32 v9, v3;
	v9 =	vld.idx.msk [tilespmem:v0+s3+$0x0], $0xffff  }
0x4b: {  	v0 =	vadd.f32 v19, v13;
	v10 =	vadd.f32 v17, v14;
	v22 =	vld [tilespmem:s5+$0x100]  }
0x4c: {  	v6 =	vadd.f32 v8, v6;
	v3 =	vadd.f32 v5, v3;
	v23 =	vld [tilespmem:s5+$0x110]  }
0x4d: {  	v5 =	vadd.f32 v15, v0;
	v8 =	vadd.f32 v12, v10;
	v7 =	vld [tilespmem:s5+$0x120]  }
0x4e: {  	v4 =	vadd.f32 v4, v6;
	v2 =	vadd.f32 v2, v3;
	v0 =	vld [tilespmem:s5+$0x130]  }
0x4f: {  	v18 =	vadd.f32 v11, v5;
	v14 =	vadd.f32 v16, v8;
	v33 =	vld [tilespmem:s5+$0xC0]  }
0x50: {  	v6 =	vadd.f32 v1, v4;
	v3 =	vadd.f32 v9, v2;
	v34 =	vld [tilespmem:s5+$0xD0]  }
0x51: {  	v12 =	vld [tilespmem:s5+$0xE0]  }
0x52: {  	v2 =	vld [tilespmem:s5+$0xF0]  }
0x53: {  	v40 =	vld [tilespmem:s5+$0x80]  }
0x54: {  	v48 =	vld [tilespmem:s5+$0x90]  }
0x55: {  	v17 =	vld [tilespmem:s5+$0xA0]  }
0x56: {  	v5 =	vld [tilespmem:s5+$0xB0]  }
0x57: {  	v16 =	vld [tilespmem:s5+$0x40]  }
0x58: {  	v41 =	vld [tilespmem:s5+$0x50]  }
0x59: {  	v20 =	vld [tilespmem:s5+$0x60]  }
0x5a: {  	v9 =	vld [tilespmem:s5+$0x70]  }
0x5b: {  	v29 =	vld [tilespmem:s5+$0x0]  }
0x5c: {  	v39 =	vld [tilespmem:s5+$0x10]  }
0x5d: {  	v24 =	vld [tilespmem:s5+$0x20]  }
0x5e: {  	v13 =	vld [tilespmem:s5+$0x30]  }
0x5f: {  	v28 =	vld.idx.msk [tilespmem:v22+s3+$0x0], $0xffff  }
0x60: {  	v30 =	vld.idx.msk [tilespmem:v23+s3+$0x0], $0xffff  }
0x61: {  	v11 =	vld.idx.msk [tilespmem:v7+s3+$0x0], $0xffff  }
0x62: {  	v1 =	vld.idx.msk [tilespmem:v0+s3+$0x0], $0xffff  }
0x63: {  	v38 =	vld.idx.msk [tilespmem:v33+s3+$0x0], $0xffff  }
0x64: {  	v35 =	vld.idx.msk [tilespmem:v34+s3+$0x0], $0xffff  }
0x65: {  	v15 =	vld.idx.msk [tilespmem:v12+s3+$0x0], $0xffff  }
0x66: {  	v4 =	vld.idx.msk [tilespmem:v2+s3+$0x0], $0xffff  }
0x67: {  	v32 =	vld.idx.msk [tilespmem:v40+s3+$0x0], $0xffff  }
0x68: {  	v36 =	vld.idx.msk [tilespmem:v48+s3+$0x0], $0xffff  }
0x69: {  	v19 =	vld.idx.msk [tilespmem:v17+s3+$0x0], $0xffff  }
0x6a: {  	v8 =	vld.idx.msk [tilespmem:v5+s3+$0x0], $0xffff  }
0x6b: {  	v43 =	vld.idx.msk [tilespmem:v16+s3+$0x0], $0xffff  }
0x6c: {  	v37 =	vld.idx.msk [tilespmem:v41+s3+$0x0], $0xffff  }
0x6d: {  	v21 =	vld.idx.msk [tilespmem:v20+s3+$0x0], $0xffff  }
0x6e: {  	v47 =	vadd.s32 $0x3E8, v29;
	v10 =	vld.idx.msk [tilespmem:v9+s3+$0x0], $0xffff  }
.Ltmp0:
0x6f: {  	v42 =	vadd.s32 $0x3E8, v39;
	v44 =	vld.idx.msk [tilespmem:v29+s3+$0x0], $0xffff;
	(pc) =	sbr.rel @p0 .LBB2_1-.Ltmp0, $4  }
0x70: {  	v45 =	vadd.s32 $0x3E8, v16;
	v39 =	vld.idx.msk [tilespmem:v39+s3+$0x0], $0xffff  }
0x71: {  	v41 =	vadd.s32 $0x3E8, v41;
	v29 =	vld.idx.msk [tilespmem:v24+s3+$0x0], $0xffff  }
0x72: {  	v46 =	vadd.s32 $0x3E8, v40;
	v16 =	vld.idx.msk [tilespmem:v13+s3+$0x0], $0xffff  }
0x73: {  	s4 =	sadd.s32 $0x500, s4;
	v40 =	vadd.s32 $0x3E8, v48;
	v47 =	vld.idx.msk [tilespmem:v47+s3+$0x0], $0xffff  }
0x74: {  	v27 =	vadd.f32 v44, v27;
	_ =	sdelay $0x1  }
0x75: {  	v27 =	vadd.f32 v43, v27;
	_ =	sdelay $0x1  }
0x76: {  	v27 =	vadd.f32 v32, v27  }
0x77: {  	v32 =	vld [tilespmem:$0x1450]  }
0x78: {  	v27 =	vadd.f32 v38, v27;
	_ =	sdelay $0x1  }
0x79: {  	v27 =	vadd.f32 v28, v27  }
0x7a: {  	v44 =	vadd.s32 $0x3E8, v33  }
0x7b: {  	v45 =	vld.idx.msk [tilespmem:v45+s3+$0x0], $0xffff;
	v27 =	vadd.f32 v32, v27  }
0x7c: {  	v22 =	vadd.s32 $0x3E8, v22  }
0x7d: {  	v46 =	vld.idx.msk [tilespmem:v46+s3+$0x0], $0xffff;
	v27 =	vsub.f32 $0.0e+00, v27  }
0x7e: {  	v25 =	vadd.f32 v47, v25  }
0x7f: {  	v28 =	vld.idx.msk [tilespmem:v44+s3+$0x0], $0xffff;
	v27 =	vmul.f32 $1.442695020e+00, v27  }
0x80: {  	v25 =	vadd.f32 v45, v25  }
0x81: {  	v22 =	vld.idx.msk [tilespmem:v22+s3+$0x0], $0xffff;
	(erf) = vpow2.f32 v27  }
0x82: {  	v25 =	vadd.f32 v46, v25  }
0x83: {  	v33 =	vld [tilespmem:$0x1460]  }
0x84: {  	v25 =	vadd.f32 v28, v25;
	_ =	sdelay $0x1  }
0x85: {  	v22 =	vadd.f32 v22, v25;
	_ =	sdelay $0x1  }
0x86: {  	v22 =	vadd.f32 v33, v22;
	_ =	sdelay $0x1  }
0x87: {  	v22 =	vsub.f32 $0.0e+00, v22;
	v47 =	vpop (erf)  }
0x88: {  	v25 =	vadd.f32 $1.000000000e+00, v47  }
0x89: {  	v22 =	vmul.f32 $1.442695020e+00, v22  }
0x8a: {  	(erf) = vrcp.f32 v25  }
0x8b: {  	(erf) = vpow2.f32 v22;
	_ =	sdelay $0x7  }
0x8c: {  	v48 =	vpop (erf)  }
0x8d: {  	v49 =	vpop (erf)  }
0x8e: {  	v25 =	vadd.f32 $1.000000000e+00, v49;
	_ =	sdelay $0x1  }
0x8f: {  	(erf) = vrcp.f32 v25;
	_ =	sdelay $0x8  }
0x90: {  	v25 =	vpop (erf)  }
0x91: {  	v50 =	vsub.f32 v25, v48;
	_ =	sdelay $0x1  }
0x92: {  	v22 =	vmul.f32 $1.442695020e+00, v50;
	_ =	sdelay $0x1  }
0x93: {  	(erf) = vpow2.f32 v22;
	_ =	sdelay $0x8  }
0x94: {  	v22 =	vpop (erf)  }
0x95: {  	v22 =	vadd.f32 $1.000000000e+00, v22;
	_ =	sdelay $0x1  }
0x96: {  	v51 =	vmul.f32 $4.254600110e-01, v22;
	_ =	sdelay $0x1  }
0x97: {  	v25 =	vadd.f32 $-2.071699950e-01, v51;
	_ =	sdelay $0x1  }
0x98: {  	v52 =	vsub.f32 $0.0e+00, v25;
	_ =	sdelay $0x1  }
0x99: {  	v28 =	vmul.f32 $1.442695020e+00, v52;
	_ =	sdelay $0x1  }
0x9a: {  	(erf) = vpow2.f32 v28;
	_ =	sdelay $0x8  }
0x9b: {  	v28 =	vpop (erf)  }
0x9c: {  	v28 =	vmul.f32 v28, v22;
	_ =	sdelay $0x1  }
0x9d: {  	v25 =	vadd.f32 v28, v25;
	_ =	sdelay $0x1  }
0x9e: {  	v25 =	vadd.f32 $-1.000000000e+00, v25;
	_ =	sdelay $0x1  }
0x9f: {  	v53 =	vsub.f32 $0.0e+00, v25  }
0xa0: {  	v27 =	vsub.f32 $0.0e+00, v50  }
0xa1: {  	v28 =	vmul.f32 $1.442695020e+00, v53  }
0xa2: {  	v27 =	vmul.f32 $1.442695020e+00, v27  }
0xa3: {  	(erf) = vpow2.f32 v28  }
0xa4: {  	(erf) = vpow2.f32 v27;
	_ =	sdelay $0x7  }
0xa5: {  	v27 =	vpop (erf)  }
0xa6: {  	v54 =	vpop (erf)  }
0xa7: {  	v28 =	vadd.f32 $1.000000000e+00, v54;
	_ =	sdelay $0x1  }
0xa8: {  	v55 =	vmul.f32 $4.254600110e-01, v28;
	_ =	sdelay $0x1  }
0xa9: {  	v38 =	vadd.f32 $-2.071699950e-01, v55;
	_ =	sdelay $0x1  }
0xaa: {  	v56 =	vsub.f32 $0.0e+00, v38;
	_ =	sdelay $0x1  }
0xab: {  	v43 =	vmul.f32 $1.442695020e+00, v56;
	_ =	sdelay $0x1  }
0xac: {  	(erf) = vpow2.f32 v43;
	_ =	sdelay $0x4  }
0xad: {  	v31 =	vadd.f32 v39, v31;
	_ =	sdelay $0x1  }
0xae: {  	v31 =	vadd.f32 v37, v31;
	_ =	sdelay $0x1  }
0xaf: {  	v31 =	vadd.f32 v36, v31;
	v57 =	vpop (erf)  }
0xb0: {  	v36 =	vmul.f32 v57, v28  }
0xb1: {  	v31 =	vadd.f32 v35, v31  }
0xb2: {  	v59 =	vld.idx.msk [tilespmem:v42+s3+$0x0], $0xffff;
	v58 =	vadd.f32 v36, v38  }
0xb3: {  	v34 =	vadd.s32 $0x3E8, v34;
	v31 =	vadd.f32 v30, v31  }
0xb4: {  	v60 =	vld.idx.msk [tilespmem:v41+s3+$0x0], $0xffff;
	v30 =	vadd.f32 $-1.000000000e+00, v58  }
0xb5: {  	v23 =	vadd.s32 $0x3E8, v23;
	v31 =	vadd.f32 v32, v31  }
0xb6: {  	v62 =	vld.idx.msk [tilespmem:v40+s3+$0x0], $0xffff;
	v61 =	vsub.f32 $0.0e+00, v30  }
0xb7: {  	v26 =	vadd.f32 v59, v26;
	v31 =	vsub.f32 $0.0e+00, v31  }
0xb8: {  	v34 =	vld.idx.msk [tilespmem:v34+s3+$0x0], $0xffff;
	v63 =	vmul.f32 $1.442695020e+00, v61  }
0xb9: {  	v26 =	vadd.f32 v60, v26;
	v31 =	vmul.f32 $1.442695020e+00, v31  }
0xba: {  	v23 =	vld.idx.msk [tilespmem:v23+s3+$0x0], $0xffff;
	(erf) = vpow2.f32 v63  }
0xbb: {  	v26 =	vadd.f32 v62, v26;
	(erf) = vpow2.f32 v31;
	_ =	sdelay $0x1  }
0xbc: {  	v26 =	vadd.f32 v34, v26;
	_ =	sdelay $0x1  }
0xbd: {  	v23 =	vadd.f32 v23, v26;
	_ =	sdelay $0x2  }
0xbe: {  	v26 =	vadd.f32 v33, v23  }
0xbf: {  	v23 =	vpop (erf)  }
0xc0: {  	v26 =	vsub.f32 $0.0e+00, v26;
	v31 =	vpop (erf)  }
0xc1: {  	v31 =	vadd.f32 $1.000000000e+00, v31  }
0xc2: {  	v26 =	vmul.f32 $1.442695020e+00, v26  }
0xc3: {  	(erf) = vrcp.f32 v31  }
0xc4: {  	(erf) = vpow2.f32 v26;
	_ =	sdelay $0x7  }
0xc5: {  	v37 =	vpop (erf)  }
0xc6: {  	v38 =	vpop (erf)  }
0xc7: {  	v31 =	vadd.f32 $1.000000000e+00, v38;
	_ =	sdelay $0x1  }
0xc8: {  	(erf) = vrcp.f32 v31;
	_ =	sdelay $0x8  }
0xc9: {  	v31 =	vpop (erf)  }
0xca: {  	v39 =	vsub.f32 v31, v37;
	_ =	sdelay $0x1  }
0xcb: {  	v26 =	vmul.f32 $1.442695020e+00, v39;
	_ =	sdelay $0x1  }
0xcc: {  	(erf) = vpow2.f32 v26;
	_ =	sdelay $0x8  }
0xcd: {  	v26 =	vpop (erf)  }
0xce: {  	v26 =	vadd.f32 $1.000000000e+00, v26;
	_ =	sdelay $0x1  }
0xcf: {  	v40 =	vmul.f32 $4.254600110e-01, v26;
	_ =	sdelay $0x1  }
0xd0: {  	v31 =	vadd.f32 $-2.071699950e-01, v40;
	_ =	sdelay $0x1  }
0xd1: {  	v41 =	vsub.f32 $0.0e+00, v31;
	_ =	sdelay $0x1  }
0xd2: {  	v35 =	vmul.f32 $1.442695020e+00, v41;
	_ =	sdelay $0x1  }
0xd3: {  	(erf) = vpow2.f32 v35;
	_ =	sdelay $0x8  }
0xd4: {  	v35 =	vpop (erf)  }
0xd5: {  	v35 =	vmul.f32 v35, v26;
	_ =	sdelay $0x1  }
0xd6: {  	v31 =	vadd.f32 v35, v31;
	_ =	sdelay $0x1  }
0xd7: {  	v31 =	vadd.f32 $-1.000000000e+00, v31;
	_ =	sdelay $0x1  }
0xd8: {  	v42 =	vsub.f32 $0.0e+00, v31  }
0xd9: {  	v34 =	vsub.f32 $0.0e+00, v39  }
0xda: {  	v35 =	vmul.f32 $1.442695020e+00, v42  }
0xdb: {  	v34 =	vmul.f32 $1.442695020e+00, v34  }
0xdc: {  	(erf) = vpow2.f32 v35  }
0xdd: {  	(erf) = vpow2.f32 v34;
	_ =	sdelay $0x7  }
0xde: {  	v34 =	vpop (erf)  }
0xdf: {  	v43 =	vpop (erf)  }
0xe0: {  	v35 =	vadd.f32 $1.000000000e+00, v43;
	_ =	sdelay $0x1  }
0xe1: {  	v44 =	vmul.f32 $4.254600110e-01, v35;
	_ =	sdelay $0x1  }
0xe2: {  	v36 =	vadd.f32 $-2.071699950e-01, v44;
	_ =	sdelay $0x1  }
0xe3: {  	v45 =	vsub.f32 $0.0e+00, v36;
	_ =	sdelay $0x1  }
0xe4: {  	v37 =	vmul.f32 $1.442695020e+00, v45;
	_ =	sdelay $0x1  }
0xe5: {  	(erf) = vpow2.f32 v37;
	_ =	sdelay $0x4  }
0xe6: {  	v18 =	vadd.f32 v29, v18;
	_ =	sdelay $0x1  }
0xe7: {  	v18 =	vadd.f32 v21, v18  }
0xe8: {  	v46 =	vadd.s32 $0x3E8, v24  }
0xe9: {  	v18 =	vadd.f32 v19, v18;
	v47 =	vpop (erf)  }
0xea: {  	v20 =	vadd.s32 $0x3E8, v20;
	v19 =	vmul.f32 v47, v35  }
0xeb: {  	v15 =	vadd.f32 v15, v18  }
0xec: {  	v17 =	vadd.s32 $0x3E8, v17;
	v48 =	vadd.f32 v19, v36  }
0xed: {  	v15 =	vadd.f32 v11, v15;
	v49 =	vld.idx.msk [tilespmem:v46+s3+$0x0], $0xffff  }
0xee: {  	v12 =	vadd.s32 $0x3E8, v12;
	v11 =	vadd.f32 $-1.000000000e+00, v48  }
0xef: {  	v15 =	vadd.f32 v32, v15;
	v50 =	vld.idx.msk [tilespmem:v20+s3+$0x0], $0xffff  }
0xf0: {  	v7 =	vadd.s32 $0x3E8, v7;
	v51 =	vsub.f32 $0.0e+00, v11  }
0xf1: {  	v17 =	vld.idx.msk [tilespmem:v17+s3+$0x0], $0xffff;
	v15 =	vsub.f32 $0.0e+00, v15  }
0xf2: {  	v14 =	vadd.f32 v49, v14;
	v52 =	vmul.f32 $1.442695020e+00, v51  }
0xf3: {  	v12 =	vld.idx.msk [tilespmem:v12+s3+$0x0], $0xffff;
	v15 =	vmul.f32 $1.442695020e+00, v15  }
0xf4: {  	v14 =	vadd.f32 v50, v14;
	(erf) = vpow2.f32 v52  }
0xf5: {  	v7 =	vld.idx.msk [tilespmem:v7+s3+$0x0], $0xffff;
	(erf) = vpow2.f32 v15  }
0xf6: {  	v14 =	vadd.f32 v17, v14;
	_ =	sdelay $0x1  }
0xf7: {  	v12 =	vadd.f32 v12, v14;
	_ =	sdelay $0x1  }
0xf8: {  	v7 =	vadd.f32 v7, v12;
	_ =	sdelay $0x1  }
0xf9: {  	v7 =	vadd.f32 v33, v7  }
0xfa: {  	v53 =	vpop (erf)  }
0xfb: {  	v7 =	vsub.f32 $0.0e+00, v7;
	v54 =	vpop (erf)  }
0xfc: {  	v14 =	vadd.f32 $1.000000000e+00, v54  }
0xfd: {  	v7 =	vmul.f32 $1.442695020e+00, v7  }
0xfe: {  	(erf) = vrcp.f32 v14  }
0xff: {  	(erf) = vpow2.f32 v7;
	_ =	sdelay $0x7  }
0x100: {  	v55 =	vpop (erf)  }
0x101: {  	v56 =	vpop (erf)  }
0x102: {  	v14 =	vadd.f32 $1.000000000e+00, v56;
	_ =	sdelay $0x1  }
0x103: {  	(erf) = vrcp.f32 v14;
	_ =	sdelay $0x8  }
0x104: {  	v14 =	vpop (erf)  }
0x105: {  	v7 =	vsub.f32 v14, v55;
	_ =	sdelay $0x1  }
0x106: {  	v14 =	vmul.f32 $1.442695020e+00, v7;
	_ =	sdelay $0x1  }
0x107: {  	(erf) = vpow2.f32 v14;
	_ =	sdelay $0x8  }
0x108: {  	v14 =	vpop (erf)  }
0x109: {  	v14 =	vadd.f32 $1.000000000e+00, v14;
	_ =	sdelay $0x1  }
0x10a: {  	v57 =	vmul.f32 $4.254600110e-01, v14;
	_ =	sdelay $0x1  }
0x10b: {  	v15 =	vadd.f32 $-2.071699950e-01, v57;
	_ =	sdelay $0x1  }
0x10c: {  	v58 =	vsub.f32 $0.0e+00, v15;
	_ =	sdelay $0x1  }
0x10d: {  	v17 =	vmul.f32 $1.442695020e+00, v58;
	_ =	sdelay $0x1  }
0x10e: {  	(erf) = vpow2.f32 v17;
	_ =	sdelay $0x8  }
0x10f: {  	v17 =	vpop (erf)  }
0x110: {  	v17 =	vmul.f32 v17, v14;
	_ =	sdelay $0x1  }
0x111: {  	v15 =	vadd.f32 v17, v15;
	_ =	sdelay $0x1  }
0x112: {  	v15 =	vadd.f32 $-1.000000000e+00, v15;
	_ =	sdelay $0x1  }
0x113: {  	v59 =	vsub.f32 $0.0e+00, v15  }
0x114: {  	v7 =	vsub.f32 $0.0e+00, v7  }
0x115: {  	v17 =	vmul.f32 $1.442695020e+00, v59  }
0x116: {  	v7 =	vmul.f32 $1.442695020e+00, v7  }
0x117: {  	(erf) = vpow2.f32 v17  }
0x118: {  	(erf) = vpow2.f32 v7;
	_ =	sdelay $0x7  }
0x119: {  	v60 =	vpop (erf)  }
0x11a: {  	v61 =	vpop (erf)  }
0x11b: {  	v17 =	vadd.f32 $1.000000000e+00, v61;
	_ =	sdelay $0x1  }
0x11c: {  	v62 =	vmul.f32 $4.254600110e-01, v17;
	_ =	sdelay $0x1  }
0x11d: {  	v18 =	vadd.f32 $-2.071699950e-01, v62;
	_ =	sdelay $0x1  }
0x11e: {  	v63 =	vsub.f32 $0.0e+00, v18;
	_ =	sdelay $0x1  }
0x11f: {  	v19 =	vmul.f32 $1.442695020e+00, v63;
	_ =	sdelay $0x1  }
0x120: {  	(erf) = vpow2.f32 v19;
	_ =	sdelay $0x4  }
0x121: {  	v6 =	vadd.f32 v16, v6;
	_ =	sdelay $0x1  }
0x122: {  	v6 =	vadd.f32 v10, v6  }
0x123: {  	v13 =	vadd.s32 $0x3E8, v13  }
0x124: {  	v6 =	vadd.f32 v8, v6;
	v16 =	vpop (erf)  }
0x125: {  	v9 =	vadd.s32 $0x3E8, v9;
	v8 =	vmul.f32 v16, v17  }
0x126: {  	v4 =	vadd.f32 v4, v6  }
0x127: {  	v5 =	vadd.s32 $0x3E8, v5;
	v19 =	vadd.f32 v8, v18  }
0x128: {  	v1 =	vadd.f32 v1, v4;
	v20 =	vld.idx.msk [tilespmem:v13+s3+$0x0], $0xffff  }
0x129: {  	v2 =	vadd.s32 $0x3E8, v2;
	v21 =	vadd.f32 $-1.000000000e+00, v19  }
0x12a: {  	v24 =	vld.idx.msk [tilespmem:v9+s3+$0x0], $0xffff;
	v1 =	vadd.f32 v32, v1  }
0x12b: {  	v0 =	vadd.s32 $0x3E8, v0;
	v29 =	vsub.f32 $0.0e+00, v21  }
0x12c: {  	v5 =	vld.idx.msk [tilespmem:v5+s3+$0x0], $0xffff;
	v1 =	vsub.f32 $0.0e+00, v1  }
0x12d: {  	v3 =	vadd.f32 v20, v3;
	v32 =	vmul.f32 $1.442695020e+00, v29  }
0x12e: {  	v2 =	vld.idx.msk [tilespmem:v2+s3+$0x0], $0xffff;
	v1 =	vmul.f32 $1.442695020e+00, v1  }
0x12f: {  	v3 =	vadd.f32 v24, v3;
	(erf) = vpow2.f32 v32  }
0x130: {  	v0 =	vld.idx.msk [tilespmem:v0+s3+$0x0], $0xffff;
	(erf) = vpow2.f32 v1  }
0x131: {  	v36 =	vadd.f32 v5, v3;
	_ =	sdelay $0x1  }
0x132: {  	v1 =	vadd.f32 v2, v36;
	_ =	sdelay $0x1  }
0x133: {  	v0 =	vadd.f32 v0, v1;
	_ =	sdelay $0x1  }
0x134: {  	v0 =	vadd.f32 v33, v0  }
0x135: {  	v37 =	vpop (erf)  }
0x136: {  	v0 =	vsub.f32 $0.0e+00, v0;
	v38 =	vpop (erf)  }
0x137: {  	v2 =	vadd.f32 $1.000000000e+00, v38  }
0x138: {  	v0 =	vmul.f32 $1.442695020e+00, v0  }
0x139: {  	(erf) = vrcp.f32 v2  }
0x13a: {  	(erf) = vpow2.f32 v0;
	_ =	sdelay $0x7  }
0x13b: {  	v39 =	vpop (erf)  }
0x13c: {  	v40 =	vpop (erf)  }
0x13d: {  	v2 =	vadd.f32 $1.000000000e+00, v40;
	_ =	sdelay $0x1  }
0x13e: {  	(erf) = vrcp.f32 v2;
	_ =	sdelay $0x8  }
0x13f: {  	v2 =	vpop (erf)  }
0x140: {  	v0 =	vsub.f32 v2, v39;
	_ =	sdelay $0x1  }
0x141: {  	v2 =	vmul.f32 $1.442695020e+00, v0;
	_ =	sdelay $0x1  }
0x142: {  	(erf) = vpow2.f32 v2;
	_ =	sdelay $0x8  }
0x143: {  	v2 =	vpop (erf)  }
0x144: {  	v2 =	vadd.f32 $1.000000000e+00, v2;
	_ =	sdelay $0x1  }
0x145: {  	v41 =	vmul.f32 $4.254600110e-01, v2;
	_ =	sdelay $0x1  }
0x146: {  	v3 =	vadd.f32 $-2.071699950e-01, v41;
	_ =	sdelay $0x1  }
0x147: {  	v42 =	vsub.f32 $0.0e+00, v3;
	_ =	sdelay $0x1  }
0x148: {  	v5 =	vmul.f32 $1.442695020e+00, v42;
	_ =	sdelay $0x1  }
0x149: {  	(erf) = vpow2.f32 v5;
	_ =	sdelay $0x8  }
0x14a: {  	v5 =	vpop (erf)  }
0x14b: {  	v5 =	vmul.f32 v5, v2;
	_ =	sdelay $0x1  }
0x14c: {  	v3 =	vadd.f32 v5, v3;
	_ =	sdelay $0x1  }
0x14d: {  	v3 =	vadd.f32 $-1.000000000e+00, v3;
	_ =	sdelay $0x1  }
0x14e: {  	v43 =	vsub.f32 $0.0e+00, v3  }
0x14f: {  	v0 =	vsub.f32 $0.0e+00, v0  }
0x150: {  	v5 =	vmul.f32 $1.442695020e+00, v43  }
0x151: {  	v0 =	vmul.f32 $1.442695020e+00, v0  }
0x152: {  	(erf) = vpow2.f32 v5  }
0x153: {  	(erf) = vpow2.f32 v0;
	_ =	sdelay $0x7  }
0x154: {  	v44 =	vpop (erf)  }
0x155: {  	v45 =	vpop (erf)  }
0x156: {  	v5 =	vadd.f32 $1.000000000e+00, v45;
	_ =	sdelay $0x1  }
0x157: {  	v46 =	vmul.f32 $4.254600110e-01, v5;
	_ =	sdelay $0x1  }
0x158: {  	v6 =	vadd.f32 $-2.071699950e-01, v46;
	_ =	sdelay $0x1  }
0x159: {  	v47 =	vsub.f32 $0.0e+00, v6;
	_ =	sdelay $0x1  }
0x15a: {  	v8 =	vmul.f32 $1.442695020e+00, v47;
	_ =	sdelay $0x1  }
0x15b: {  	(erf) = vpow2.f32 v8;
	_ =	sdelay $0x8  }
0x15c: {  	v8 =	vpop (erf)  }
0x15d: {  	v8 =	vmul.f32 v8, v5;
	_ =	sdelay $0x1  }
0x15e: {  	v6 =	vadd.f32 v8, v6;
	_ =	sdelay $0x1  }
0x15f: {  	v6 =	vadd.f32 $-1.000000000e+00, v6;
	_ =	sdelay $0x1  }
0x160: {  	v48 =	vsub.f32 $0.0e+00, v6;
	_ =	sdelay $0x1  }
0x161: {  	v8 =	vmul.f32 $1.442695020e+00, v48  }
0x162: {  	v50 =	vmul.f32 v23, v28  }
0x163: {  	v52 =	vmul.f32 v34, v26;
	(erf) = vpow2.f32 v8  }
0x164: {  	v12 =	vmul.f32 v53, v35  }
0x165: {  	v10 =	vadd.f32 v50, v30;
	v9 =	vadd.f32 v52, v31  }
0x166: {  	v49 =	vmul.f32 v27, v22;
	v53 =	vlaneseq.u32;
	v11 =	vadd.f32 v12, v11  }
0x167: {  	v10 =	vadd.f32 $-1.000000000e+00, v10;
	v9 =	vadd.f32 $-1.000000000e+00, v9;
	v54 =	vmul.u32 $0x2, v53  }
0x168: {  	v51 =	vadd.f32 v49, v25;
	v11 =	vadd.f32 $-1.000000000e+00, v11  }
0x169: {  	v10 =	vsub.f32 $0.0e+00, v10;
	v9 =	vsub.f32 $0.0e+00, v9;
	v13 =	vor.u32 $0x1, v54  }
0x16a: {  	v11 =	vsub.f32 $0.0e+00, v11;
	v7 =	vmul.f32 v60, v14;
	v8 =	vadd.f32 $-1.000000000e+00, v51  }
0x16b: {  	v56 =	vor.u32 $0x21, v54;
	v55 =	vor.u32 $0x20, v54;
	v1 =	vmul.f32 v37, v17  }
0x16c: {  	v7 =	vadd.f32 v7, v15;
	v0 =	vmul.f32 v44, v2;
	v8 =	vsub.f32 $0.0e+00, v8;
	v57 =	vpop (erf)  }
0x16d: {  	s29 =	simm.s32 $0x1480;
	v58 =	vor.u32 $0x40, v54;
	v1 =	vadd.f32 v1, v21;
	v2 =	vmul.f32 v57, v5  }
0x16e: {  	v60 =	vor.u32 $0x41, v54;
	v59 =	vadd.f32 $-1.000000000e+00, v7;
	v0 =	vadd.f32 v0, v3;
	[tilespmem:v54+s29+$0x0] =	vst.idx.msk $0xffff, v8  }
0x16f: {  	v61 =	vor.u32 $0x60, v54;
	v1 =	vadd.f32 $-1.000000000e+00, v1;
	[tilespmem:v13+s29+$0x0] =	vst.idx.msk $0xffff, v10;
	v2 =	vadd.f32 v2, v6  }
0x170: {  	v62 =	vor.u32 $0x61, v54;
	v4 =	vsub.f32 $0.0e+00, v59;
	v0 =	vadd.f32 $-1.000000000e+00, v0;
	[tilespmem:v55+s29+$0x0] =	vst.idx.msk $0xffff, v9  }
0x171: {  	v1 =	vsub.f32 $0.0e+00, v1;
	[tilespmem:v56+s29+$0x0] =	vst.idx.msk $0xffff, v11;
	v2 =	vadd.f32 $-1.000000000e+00, v2  }
0x172: {  	v0 =	vsub.f32 $0.0e+00, v0;
	[tilespmem:v58+s29+$0x0] =	vst.idx.msk $0xffff, v4  }
0x173: {  	[tilespmem:v60+s29+$0x0] =	vst.idx.msk $0xffff, v1;
	v63 =	vsub.f32 $0.0e+00, v2  }
0x174: {  	s4 =	sshll.u32 s1, $0x4;
	[tilespmem:v61+s29+$0x0] =	vst.idx.msk $0xffff, v0  }
0x175: {  	s30 =	simm.s32 $0x0;
	s31 =	simm.s32 $0x3;
	s2 =	sadd.s32 s2, s4;
	[tilespmem:v62+s29+$0x0] =	vst.idx.msk $0xffff, v63  }
0x176: {  	[hbm4b:s2+s30] =	stream.linear.scatter [tilespmem:s29], [sflag:$0x3], $0x80, $0x38;
	[tilespmem:$0x1500] =	vst v63  }
0x177: {  	_ =	swait.ge [sflag:s31], $0x80  }
0x178: {  	[sflag:s31] =	ssyncset.done $0x0  }
0x179: {  	[sflag:s31] =	ssyncadd.s32 $0xFFFFFF80  }
0x17a: {  	_ =	sfence.sel $0x180000  }
0x17b: {  	[bflag:$0x0] =	sbarrier.arrive $0xFFFF  }
0x17c: {  	p0 =	sne.s32 s1, $0x0;
	_ =	strace $0x90000047  }
0x17d: {  	s0 =	sadd.s32 @!p0 $0x100000, s0;
	[bflag:$0x2] =	sbarrier.arrive $0xFFFF  }
0x17e: {  	[sflag:s0] =	ssyncadd.tile.s32 @!p0 $0x1;
	_ =	shalt  }
.Lfunc_end2:
_tile_overlayer_lowered:
.L_overlay_start_2:
0x17f: {  	(tag) =	ssettag $0x2  }
0x180: {  	s0 =	rddreg [dreg:$0x0];
	s2 =	stileid.u32  }
0x181: {  	s1 =	rddreg [dreg:$0x1];
	p0 =	sne.s32 s2, $0x0  }
0x182: {  	s3 =	rddreg [dreg:$0x2];
	[bflag:$0x3] =	sbarrier.arrive $0xFFFF;
	s2 =	simm.s32 @!p0 $0x1C03  }
0x183: {  	[timem:s3], [sflag:s2] =	dma.local @!p0 [hbm:s0], s1  }
0x184: {  	s0 =	simm.s32 @!p0 $0x3  }
0x185: {  	_ =	swait.ge @!p0 [sflag:s0], s1  }
0x186: {  	s1 =	ssub.s32 @!p0 $0x0, s1;
	[sflag:s0] =	ssyncset.done @!p0 $0x0  }
0x187: {  	[sflag:s0] =	ssyncadd.s32 @!p0 s1  }
0x188: {  	[bflag:$0x3] =	sbarrier.arrive $0xFFFF  }
0x189: {  	_ =	shalt  }

</sc_bundles>
